<compile_context>
chip_gen: v7x
topology: tpu7x:2x2x1
jax: 0.10.2.dev20260603
libtpu: 0.0.44.dev20260713+nightly
codegen_flags: <defaults>
</compile_context>

<pallas_src>
import functools

import jax
import jax.numpy as jnp
from jax import lax
from jax.experimental import pallas as pl
from jax.experimental.pallas import tpu as pltpu
from jax.experimental.pallas import tpu_sc as plsc

N_NODES = 10000
NP = 10240
E = 320000
EP = 327680
NW = 32
EW = EP // NW
CHUNK = 128
NCH = EW // CHUNK
F = 128
FW = 144
RB = 256

_MESH = dict(core_axis_name="c", subcore_axis_name="s")


def _sc_degrees(src3, dst3, zrow):

    @functools.partial(
        pl.kernel,
        out_type=jax.ShapeDtypeStruct((2, 2, NP), jnp.float32),
        mesh=plsc.VectorSubcoreMesh(**_MESH),
        scratch_types=[
            pltpu.VMEM((NCH, CHUNK), jnp.int32),
            pltpu.VMEM((NCH, CHUNK), jnp.int32),
            pltpu.VMEM((CHUNK,), jnp.float32),
            pltpu.VMEM_SHARED((NP,), jnp.float32),
            pltpu.VMEM_SHARED((NP,), jnp.float32),
        ],
    )
    def deg_kernel(src_hbm, dst_hbm, zrow_hbm, out_hbm, src_v, dst_v, ones_v,
                   acc_o, acc_i):
        cid = lax.axis_index("c")
        sid = lax.axis_index("s")
        wid = sid * 2 + cid
        seg = sid * (NP // 16)
        pltpu.sync_copy(zrow_hbm, acc_o.at[pl.ds(seg, NP // 16)])
        pltpu.sync_copy(zrow_hbm, acc_i.at[pl.ds(seg, NP // 16)])
        for k in range(CHUNK // 16):
            ones_v[pl.ds(k * 16, 16)] = jnp.ones((16,), jnp.float32)
        pltpu.sync_copy(src_hbm.at[wid], src_v)
        pltpu.sync_copy(dst_hbm.at[wid], dst_v)
        plsc.subcore_barrier()

        def body(c, carry):
            pltpu.sync_copy(ones_v, acc_o.at[src_v.at[c]], add=True)
            pltpu.sync_copy(ones_v, acc_i.at[dst_v.at[c]], add=True)
            return carry

        lax.fori_loop(0, NCH, body, 0)
        plsc.subcore_barrier()
        pltpu.sync_copy(acc_o.at[pl.ds(seg, NP // 16)],
                        out_hbm.at[cid, 0, pl.ds(seg, NP // 16)])
        pltpu.sync_copy(acc_i.at[pl.ds(seg, NP // 16)],
                        out_hbm.at[cid, 1, pl.ds(seg, NP // 16)])

    return deg_kernel(src3, dst3, zrow)


def _sc_gather_scatter(table, src3, dst3, zblk):

    @functools.partial(
        pl.kernel,
        out_type=jax.ShapeDtypeStruct((2, NP, FW), jnp.float32),
        mesh=plsc.VectorSubcoreMesh(**_MESH),
        compiler_params=pltpu.CompilerParams(use_tc_tiling_on_sc=False),
        scratch_types=[
            pltpu.VMEM((NCH, CHUNK), jnp.int32),
            pltpu.VMEM((NCH, CHUNK), jnp.int32),
            pltpu.VMEM((CHUNK, FW), jnp.float32),
            pltpu.VMEM_SHARED((NP, FW), jnp.float32),
            pltpu.SemaphoreType.DMA,
        ],
    )
    def gs_kernel(table_hbm, src_hbm, dst_hbm, zblk_hbm, out_hbm, src_v, dst_v,
                  rows_v, acc, sem):
        cid = lax.axis_index("c")
        sid = lax.axis_index("s")
        wid = sid * 2 + cid
        rows_per_tile = NP // 16
        seg = sid * rows_per_tile
        pltpu.sync_copy(zblk_hbm, acc.at[pl.ds(seg, rows_per_tile)])
        pltpu.sync_copy(src_hbm.at[wid], src_v)
        pltpu.sync_copy(dst_hbm.at[wid], dst_v)
        plsc.subcore_barrier()

        def body(c, carry):
            pltpu.async_copy(table_hbm.at[src_v.at[c]], rows_v, sem).wait()
            pltpu.sync_copy(rows_v, acc.at[dst_v.at[c]], add=True)
            return carry

        lax.fori_loop(0, NCH, body, 0)
        plsc.subcore_barrier()
        pltpu.sync_copy(acc.at[pl.ds(seg, rows_per_tile)],
                        out_hbm.at[cid, pl.ds(seg, rows_per_tile)])

    return gs_kernel(table, src3, dst3, zblk)


def _tc_prep(x_pad, deg_o2):

    def prep_body(x_ref, d_ref, t_ref):
        u = lax.rsqrt(jnp.maximum(d_ref[0, :] + d_ref[1, :], 1.0))
        ux = x_ref[...] * u[:, None]
        t_ref[...] = jnp.concatenate(
            [ux, u[:, None], jnp.zeros((RB, FW - F - 1), jnp.float32)], axis=1)

    return pl.pallas_call(
        prep_body,
        grid=(NP // RB,),
        in_specs=[
            pl.BlockSpec((RB, F), lambda i: (i, 0)),
            pl.BlockSpec((2, RB), lambda i: (0, i)),
        ],
        out_specs=pl.BlockSpec((RB, FW), lambda i: (i, 0)),
        out_shape=jax.ShapeDtypeStruct((NP, FW), jnp.float32),
    )(x_pad, deg_o2)


def _tc_layer(acc0, acc1, x_pad, deg_o2, deg_i2, W1, b1, W2, b2, first):

    def layer_body(a0_ref, a1_ref, x_ref, do_ref, di_ref, w1_ref, b1_ref,
                   w2_ref, b2_ref, *outs):
        v = lax.rsqrt(jnp.maximum(di_ref[0, :] + di_ref[1, :], 1.0))
        asum = a0_ref[:, :F] + a1_ref[:, :F]
        ssum = a0_ref[:, F] + a1_ref[:, F]
        a = asum * v[:, None]
        s = ssum * v
        x = x_ref[...]
        z = (jnp.dot(a + x, w1_ref[...], preferred_element_type=jnp.float32)
             + jnp.dot(x * a, w2_ref[...], preferred_element_type=jnp.float32)
             + b1_ref[...] * (1.0 + s)[:, None]
             + b2_ref[...] * s[:, None])
        if first:
            h = jnp.maximum(z, 0.0)
            outs[0][...] = h
            u = lax.rsqrt(jnp.maximum(do_ref[0, :] + do_ref[1, :], 1.0))
            outs[1][...] = jnp.concatenate(
                [h * u[:, None], u[:, None],
                 jnp.zeros((RB, FW - F - 1), jnp.float32)], axis=1)
        else:
            outs[0][...] = jnp.maximum(z, 0.0) + 0.2 * jnp.minimum(z, 0.0)

    out_shape = [jax.ShapeDtypeStruct((NP, F), jnp.float32)]
    out_specs = [pl.BlockSpec((RB, F), lambda i: (i, 0))]
    if first:
        out_shape.append(jax.ShapeDtypeStruct((NP, FW), jnp.float32))
        out_specs.append(pl.BlockSpec((RB, FW), lambda i: (i, 0)))

    return pl.pallas_call(
        layer_body,
        grid=(NP // RB,),
        in_specs=[
            pl.BlockSpec((RB, FW), lambda i: (i, 0)),
            pl.BlockSpec((RB, FW), lambda i: (i, 0)),
            pl.BlockSpec((RB, F), lambda i: (i, 0)),
            pl.BlockSpec((2, RB), lambda i: (0, i)),
            pl.BlockSpec((2, RB), lambda i: (0, i)),
            pl.BlockSpec((F, F), lambda i: (0, 0)),
            pl.BlockSpec((1, F), lambda i: (0, 0)),
            pl.BlockSpec((F, F), lambda i: (0, 0)),
            pl.BlockSpec((1, F), lambda i: (0, 0)),
        ],
        out_specs=out_specs,
        out_shape=out_shape,
    )(acc0, acc1, x_pad, deg_o2, deg_i2, W1, b1.reshape(1, F), W2,
      b2.reshape(1, F))


def kernel(inputs, edge_index, W1_1, b1_1, W2_1, b2_1, W1_2, b1_2, W2_2, b2_2):
    x = inputs
    src = edge_index[0]
    dst = edge_index[1]
    pad_ids = (N_NODES
               + jnp.arange(EP - E, dtype=jnp.int32) % (NP - N_NODES))
    src3 = jnp.concatenate([src, pad_ids]).reshape(NW, NCH, CHUNK)
    dst3 = jnp.concatenate([dst, pad_ids]).reshape(NW, NCH, CHUNK)
    zrow = jnp.zeros((NP // 16,), jnp.float32)
    zblk = jnp.zeros((NP // 16, FW), jnp.float32)
    x_pad = jnp.pad(x, ((0, NP - N_NODES), (0, 0)))

    degs = _sc_degrees(src3, dst3, zrow)
    deg_o2 = degs[:, 0]
    deg_i2 = degs[:, 1]

    table1 = _tc_prep(x_pad, deg_o2)
    acc1 = _sc_gather_scatter(table1, src3, dst3, zblk)
    h1, table2 = _tc_layer(acc1[0], acc1[1], x_pad, deg_o2, deg_i2,
                           W1_1, b1_1, W2_1, b2_1, first=True)
    acc2 = _sc_gather_scatter(table2, src3, dst3, zblk)
    (out,) = _tc_layer(acc2[0], acc2[1], h1, deg_o2, deg_i2,
                       W1_2, b1_2, W2_2, b2_2, first=False)
    return out[:N_NODES]

# --- scband reference (transcript-rebuilt; emitter-appended) ---
"""Pipeline reference for scband-ngcf-14302241096099 (READ-ONLY COPY).

The authoritative reference and input builder live on the scoring server;
editing this copy changes nothing except your own understanding.
"""

import jax, jax.numpy as jnp
import numpy as np

N_NODES = 10000
N_EDGES = 320000
IN_FEATS = 128
HIDDEN = 128
OUT_FEATS = 128


def setup_inputs(seed: int = 0) -> dict:
    key = jax.random.key(seed)
    ks = jax.random.split(key, 12)
    x = jax.random.normal(ks[0], (N_NODES, IN_FEATS), dtype=jnp.float32)
    edge_index = jax.random.randint(ks[1], (2, N_EDGES), 0, N_NODES, dtype=jnp.int32)
    s1 = 1.0 / np.sqrt(IN_FEATS)
    s2 = 1.0 / np.sqrt(HIDDEN)
    W1_1 = jax.random.uniform(ks[2], (IN_FEATS, HIDDEN), jnp.float32, -s1, s1)
    b1_1 = jax.random.uniform(ks[3], (HIDDEN,), jnp.float32, -s1, s1)
    W2_1 = jax.random.uniform(ks[4], (IN_FEATS, HIDDEN), jnp.float32, -s1, s1)
    b2_1 = jax.random.uniform(ks[5], (HIDDEN,), jnp.float32, -s1, s1)
    W1_2 = jax.random.uniform(ks[6], (HIDDEN, OUT_FEATS), jnp.float32, -s2, s2)
    b1_2 = jax.random.uniform(ks[7], (OUT_FEATS,), jnp.float32, -s2, s2)
    W2_2 = jax.random.uniform(ks[8], (HIDDEN, OUT_FEATS), jnp.float32, -s2, s2)
    b2_2 = jax.random.uniform(ks[9], (OUT_FEATS,), jnp.float32, -s2, s2)
    return {"inputs": x, "edge_index": edge_index,
            "W1_1": W1_1, "b1_1": b1_1, "W2_1": W2_1, "b2_1": b2_1,
            "W1_2": W1_2, "b1_2": b1_2, "W2_2": W2_2, "b2_2": b2_2}


def _ngcf_conv(x, W1, b1, W2, b2, src, dst, n_nodes):
    # NGCF propagation layer:
    #   m_{j->i} = (1/sqrt(d_j d_i)) * (W1 h_j + W2 (h_j * h_i))
    #   m_{i->i} = W1 h_i
    #   h_i' = LeakyReLU(m_{i->i} + sum_j m_{j->i})
    ones = jnp.ones((src.shape[0],), dtype=x.dtype)
    deg_out = jnp.zeros((n_nodes,), dtype=x.dtype).at[src].add(ones)
    deg_in = jnp.zeros((n_nodes,), dtype=x.dtype).at[dst].add(ones)
    deg_out = jnp.maximum(deg_out, 1.0)
    deg_in = jnp.maximum(deg_in, 1.0)
    norm = 1.0 / jnp.sqrt(deg_out[src] * deg_in[dst])
    x_src = x[src]
    x_dst = x[dst]
    msg = (x_src @ W1 + b1) + ((x_src * x_dst) @ W2 + b2)
    msg = msg * norm[:, None]
    agg = jnp.zeros((n_nodes, W1.shape[1]), dtype=x.dtype).at[dst].add(msg)
    out = agg + (x @ W1 + b1)
    return jax.nn.leaky_relu(out, negative_slope=0.2)


def reference(inputs, edge_index, W1_1, b1_1, W2_1, b2_1, W1_2, b1_2, W2_2, b2_2):
    src = edge_index[0]
    dst = edge_index[1]
    h = _ngcf_conv(inputs, W1_1, b1_1, W2_1, b2_1, src, dst, N_NODES)
    h = jax.nn.relu(h)
    h = _ngcf_conv(h, W1_2, b1_2, W2_2, b2_2, src, dst, N_NODES)
    return h

if __name__ == "__main__":
    import jax
    _d = setup_inputs()
    print(jax.jit(kernel)(*tuple(_d.values())))

</pallas_src>

<mosaic_0001>
#map = affine_map<(d0, d1) -> (0, 0)>
#map1 = affine_map<(d0, d1) -> (0, 0, 0)>
module attributes {stable_mosaic.version = 14 : i64} {
  func.func @gs_kernel(%arg0: i32, %arg1: i32, %arg2: memref<10240x144xf32, #tpu.memory_space<hbm>>, %arg3: memref<32x80x128xi32, #tpu.memory_space<hbm>>, %arg4: memref<32x80x128xi32, #tpu.memory_space<hbm>>, %arg5: memref<640x144xf32, #tpu.memory_space<hbm>>, %arg6: memref<2x10240x144xf32, #tpu.memory_space<hbm>>, %arg7: memref<80x128xi32, #tpu.memory_space<vmem>>, %arg8: memref<80x128xi32, #tpu.memory_space<vmem>>, %arg9: memref<128x144xf32, #tpu.memory_space<vmem>>, %arg10: memref<10240x144xf32, #tpu.memory_space<vmem_shared>>, %arg11: memref<!tpu.dma_semaphore, #tpu.memory_space<semaphore_mem>>) attributes {dimension_semantics = [#tpu.dimension_semantics<core_parallel>, #tpu.dimension_semantics<subcore_parallel>], iteration_bounds = array<i64: 2, 16>, scalar_prefetch = 0 : i64, scratch_operands = 5 : i64, tpu.core_type = #tpu.core_type<sc_vector_subcore>, window_params = [{transform_indices = #map}, {transform_indices = #map1}, {transform_indices = #map1}, {transform_indices = #map}, {transform_indices = #map1}]} {
    %mul3A = arith.constant 2 : i32
    %mul3A_0 = arith.muli %arg1, %mul3A : i32
    %add3A = arith.addi %mul3A_0, %arg0 : i32
    %mul3A_1 = arith.constant 640 : i32
    %mul3A_2 = arith.muli %arg1, %mul3A_1 : i32
    "tpu.region"() ({
      %run_scoped3A = tpu.sem_alloc : memref<!tpu.dma_semaphore, #tpu.memory_space<semaphore_mem>>
      %dma_start3A = arith.constant 0 : i32
      %dma_start3A_9 = tpu.memref_slice %arg10[%mul3A_2, %dma_start3A] : memref<10240x144xf32, #tpu.memory_space<vmem_shared>> -> memref<640x144xf32, #tpu.memory_space<vmem_shared>>
      tpu.enqueue_dma source(%arg5 : memref<640x144xf32, #tpu.memory_space<hbm>>) target(%dma_start3A_9 : memref<640x144xf32, #tpu.memory_space<vmem_shared>>) target_semaphore(%run_scoped3A : memref<!tpu.dma_semaphore, #tpu.memory_space<semaphore_mem>>)
      %dma_wait3A = arith.constant 0 : i32
      %dma_wait3A_10 = tpu.memref_slice %arg10[%mul3A_2, %dma_wait3A] : memref<10240x144xf32, #tpu.memory_space<vmem_shared>> -> memref<640x144xf32, #tpu.memory_space<vmem_shared>>
      tpu.wait_dma2 semaphore(%run_scoped3A : memref<!tpu.dma_semaphore, #tpu.memory_space<semaphore_mem>>) src(%arg5 : memref<640x144xf32, #tpu.memory_space<hbm>>) dst(%dma_wait3A_10 : memref<640x144xf32, #tpu.memory_space<vmem_shared>>)
      tpu.yield
    }) : () -> ()
    "tpu.region"() ({
      %run_scoped3A = tpu.sem_alloc : memref<!tpu.dma_semaphore, #tpu.memory_space<semaphore_mem>>
      %dma_start3A = arith.constant 0 : i32
      %dma_start3A_9 = arith.constant 0 : i32
      %dma_start3A_10 = tpu.memref_slice %arg3[%add3A, %dma_start3A, %dma_start3A_9] : memref<32x80x128xi32, #tpu.memory_space<hbm>> -> memref<1x80x128xi32, #tpu.memory_space<hbm>>
      %dma_start3A_11 = tpu.memref_squeeze %dma_start3A_10 : memref<1x80x128xi32, #tpu.memory_space<hbm>> -> memref<80x128xi32, #tpu.memory_space<hbm>>
      %dma_start3A_12 = arith.constant 0 : i32
      %dma_start3A_13 = arith.constant 0 : i32
      %dma_start3A_14 = tpu.memref_slice %arg3[%add3A, %dma_start3A_12, %dma_start3A_13] : memref<32x80x128xi32, #tpu.memory_space<hbm>> -> memref<1x80x128xi32, #tpu.memory_space<hbm>>
      %dma_start3A_15 = tpu.memref_squeeze %dma_start3A_14 : memref<1x80x128xi32, #tpu.memory_space<hbm>> -> memref<80x128xi32, #tpu.memory_space<hbm>>
      tpu.enqueue_dma source(%dma_start3A_15 : memref<80x128xi32, #tpu.memory_space<hbm>>) target(%arg7 : memref<80x128xi32, #tpu.memory_space<vmem>>) target_semaphore(%run_scoped3A : memref<!tpu.dma_semaphore, #tpu.memory_space<semaphore_mem>>)
      %dma_wait3A = arith.constant 0 : i32
      %dma_wait3A_16 = arith.constant 0 : i32
      %dma_wait3A_17 = tpu.memref_slice %arg3[%add3A, %dma_wait3A, %dma_wait3A_16] : memref<32x80x128xi32, #tpu.memory_space<hbm>> -> memref<1x80x128xi32, #tpu.memory_space<hbm>>
      %dma_wait3A_18 = tpu.memref_squeeze %dma_wait3A_17 : memref<1x80x128xi32, #tpu.memory_space<hbm>> -> memref<80x128xi32, #tpu.memory_space<hbm>>
      %dma_wait3A_19 = arith.constant 0 : i32
      %dma_wait3A_20 = arith.constant 0 : i32
      %dma_wait3A_21 = tpu.memref_slice %arg3[%add3A, %dma_wait3A_19, %dma_wait3A_20] : memref<32x80x128xi32, #tpu.memory_space<hbm>> -> memref<1x80x128xi32, #tpu.memory_space<hbm>>
      %dma_wait3A_22 = tpu.memref_squeeze %dma_wait3A_21 : memref<1x80x128xi32, #tpu.memory_space<hbm>> -> memref<80x128xi32, #tpu.memory_space<hbm>>
      tpu.wait_dma2 semaphore(%run_scoped3A : memref<!tpu.dma_semaphore, #tpu.memory_space<semaphore_mem>>) src(%dma_wait3A_22 : memref<80x128xi32, #tpu.memory_space<hbm>>) dst(%arg7 : memref<80x128xi32, #tpu.memory_space<vmem>>)
      tpu.yield
    }) : () -> ()
    "tpu.region"() ({
      %run_scoped3A = tpu.sem_alloc : memref<!tpu.dma_semaphore, #tpu.memory_space<semaphore_mem>>
      %dma_start3A = arith.constant 0 : i32
      %dma_start3A_9 = arith.constant 0 : i32
      %dma_start3A_10 = tpu.memref_slice %arg4[%add3A, %dma_start3A, %dma_start3A_9] : memref<32x80x128xi32, #tpu.memory_space<hbm>> -> memref<1x80x128xi32, #tpu.memory_space<hbm>>
      %dma_start3A_11 = tpu.memref_squeeze %dma_start3A_10 : memref<1x80x128xi32, #tpu.memory_space<hbm>> -> memref<80x128xi32, #tpu.memory_space<hbm>>
      %dma_start3A_12 = arith.constant 0 : i32
      %dma_start3A_13 = arith.constant 0 : i32
      %dma_start3A_14 = tpu.memref_slice %arg4[%add3A, %dma_start3A_12, %dma_start3A_13] : memref<32x80x128xi32, #tpu.memory_space<hbm>> -> memref<1x80x128xi32, #tpu.memory_space<hbm>>
      %dma_start3A_15 = tpu.memref_squeeze %dma_start3A_14 : memref<1x80x128xi32, #tpu.memory_space<hbm>> -> memref<80x128xi32, #tpu.memory_space<hbm>>
      tpu.enqueue_dma source(%dma_start3A_15 : memref<80x128xi32, #tpu.memory_space<hbm>>) target(%arg8 : memref<80x128xi32, #tpu.memory_space<vmem>>) target_semaphore(%run_scoped3A : memref<!tpu.dma_semaphore, #tpu.memory_space<semaphore_mem>>)
      %dma_wait3A = arith.constant 0 : i32
      %dma_wait3A_16 = arith.constant 0 : i32
      %dma_wait3A_17 = tpu.memref_slice %arg4[%add3A, %dma_wait3A, %dma_wait3A_16] : memref<32x80x128xi32, #tpu.memory_space<hbm>> -> memref<1x80x128xi32, #tpu.memory_space<hbm>>
      %dma_wait3A_18 = tpu.memref_squeeze %dma_wait3A_17 : memref<1x80x128xi32, #tpu.memory_space<hbm>> -> memref<80x128xi32, #tpu.memory_space<hbm>>
      %dma_wait3A_19 = arith.constant 0 : i32
      %dma_wait3A_20 = arith.constant 0 : i32
      %dma_wait3A_21 = tpu.memref_slice %arg4[%add3A, %dma_wait3A_19, %dma_wait3A_20] : memref<32x80x128xi32, #tpu.memory_space<hbm>> -> memref<1x80x128xi32, #tpu.memory_space<hbm>>
      %dma_wait3A_22 = tpu.memref_squeeze %dma_wait3A_21 : memref<1x80x128xi32, #tpu.memory_space<hbm>> -> memref<80x128xi32, #tpu.memory_space<hbm>>
      tpu.wait_dma2 semaphore(%run_scoped3A : memref<!tpu.dma_semaphore, #tpu.memory_space<semaphore_mem>>) src(%dma_wait3A_22 : memref<80x128xi32, #tpu.memory_space<hbm>>) dst(%arg8 : memref<80x128xi32, #tpu.memory_space<vmem>>)
      tpu.yield
    }) : () -> ()
    %barrier3A = arith.constant 0 : index
    tpu.barrier barrier_id(%barrier3A)
    %scan3A = arith.constant 0 : i32
    %scan3A_3 = arith.constant 0 : i32
    %scan3A_4 = arith.constant 80 : i32
    %scan3A_5 = arith.addi %scan3A_3, %scan3A_4 : i32
    %scan3A_6 = arith.constant 1 : i32
    scf.for %scan3A_9 = %scan3A_3 to %scan3A_5 step %scan3A_6  : i32 {
      %dma_start3A = arith.constant 0 : i32
      %dma_start3A_10 = tpu.memref_slice %arg7[%scan3A_9, %dma_start3A] : memref<80x128xi32, #tpu.memory_space<vmem>> -> memref<1x128xi32, #tpu.memory_space<vmem>>
      %dma_start3A_11 = tpu.memref_squeeze %dma_start3A_10 : memref<1x128xi32, #tpu.memory_space<vmem>> -> memref<128xi32, #tpu.memory_space<vmem>>
      %dma_start3A_12 = arith.constant 0 : i32
      %dma_start3A_13 = arith.constant 0 : i32
      %dma_start3A_14 = tpu.memref_slice %arg2[%dma_start3A_12, %dma_start3A_13] : memref<10240x144xf32, #tpu.memory_space<hbm>> -> memref<10240x144xf32, #tpu.memory_space<hbm>>
      tpu.enqueue_indirect_dma source(%dma_start3A_14 : memref<10240x144xf32, #tpu.memory_space<hbm>>) target(%arg9 : memref<128x144xf32, #tpu.memory_space<vmem>>) offsets(%dma_start3A_11 : memref<128xi32, #tpu.memory_space<vmem>>) semaphore(%arg11 : memref<!tpu.dma_semaphore, #tpu.memory_space<semaphore_mem>>)
      %dma_wait3A = arith.constant 0 : i32
      %dma_wait3A_15 = tpu.memref_slice %arg7[%scan3A_9, %dma_wait3A] : memref<80x128xi32, #tpu.memory_space<vmem>> -> memref<1x128xi32, #tpu.memory_space<vmem>>
      %dma_wait3A_16 = tpu.memref_squeeze %dma_wait3A_15 : memref<1x128xi32, #tpu.memory_space<vmem>> -> memref<128xi32, #tpu.memory_space<vmem>>
      %dma_wait3A_17 = arith.constant 0 : i32
      %dma_wait3A_18 = arith.constant 0 : i32
      %dma_wait3A_19 = tpu.memref_slice %arg2[%dma_wait3A_17, %dma_wait3A_18] : memref<10240x144xf32, #tpu.memory_space<hbm>> -> memref<10240x144xf32, #tpu.memory_space<hbm>>
      tpu.wait_indirect_dma semaphore(%arg11 : memref<!tpu.dma_semaphore, #tpu.memory_space<semaphore_mem>>) src(%dma_wait3A_19 : memref<10240x144xf32, #tpu.memory_space<hbm>>) dst(%arg9 : memref<128x144xf32, #tpu.memory_space<vmem>>)
      "tpu.region"() ({
        %run_scoped3A = tpu.sem_alloc : memref<!tpu.dma_semaphore, #tpu.memory_space<semaphore_mem>>
        %dma_start3A_20 = arith.constant 0 : i32
        %dma_start3A_21 = tpu.memref_slice %arg8[%scan3A_9, %dma_start3A_20] : memref<80x128xi32, #tpu.memory_space<vmem>> -> memref<1x128xi32, #tpu.memory_space<vmem>>
        %dma_start3A_22 = tpu.memref_squeeze %dma_start3A_21 : memref<1x128xi32, #tpu.memory_space<vmem>> -> memref<128xi32, #tpu.memory_space<vmem>>
        %dma_start3A_23 = arith.constant 0 : i32
        %dma_start3A_24 = arith.constant 0 : i32
        %dma_start3A_25 = tpu.memref_slice %arg10[%dma_start3A_23, %dma_start3A_24] : memref<10240x144xf32, #tpu.memory_space<vmem_shared>> -> memref<10240x144xf32, #tpu.memory_space<vmem_shared>>
        tpu.enqueue_indirect_dma source(%arg9 : memref<128x144xf32, #tpu.memory_space<vmem>>) target(%dma_start3A_25 : memref<10240x144xf32, #tpu.memory_space<vmem_shared>>) offsets(%dma_start3A_22 : memref<128xi32, #tpu.memory_space<vmem>>) semaphore(%run_scoped3A : memref<!tpu.dma_semaphore, #tpu.memory_space<semaphore_mem>>) {add = true}
        %dma_wait3A_26 = arith.constant 0 : i32
        %dma_wait3A_27 = tpu.memref_slice %arg8[%scan3A_9, %dma_wait3A_26] : memref<80x128xi32, #tpu.memory_space<vmem>> -> memref<1x128xi32, #tpu.memory_space<vmem>>
        %dma_wait3A_28 = tpu.memref_squeeze %dma_wait3A_27 : memref<1x128xi32, #tpu.memory_space<vmem>> -> memref<128xi32, #tpu.memory_space<vmem>>
        %dma_wait3A_29 = arith.constant 0 : i32
        %dma_wait3A_30 = arith.constant 0 : i32
        %dma_wait3A_31 = tpu.memref_slice %arg10[%dma_wait3A_29, %dma_wait3A_30] : memref<10240x144xf32, #tpu.memory_space<vmem_shared>> -> memref<10240x144xf32, #tpu.memory_space<vmem_shared>>
        tpu.wait_indirect_dma semaphore(%run_scoped3A : memref<!tpu.dma_semaphore, #tpu.memory_space<semaphore_mem>>) src(%arg9 : memref<128x144xf32, #tpu.memory_space<vmem>>) dst(%dma_wait3A_31 : memref<10240x144xf32, #tpu.memory_space<vmem_shared>>)
        tpu.yield
      }) : () -> ()
    }
    %scan3A_7 = arith.constant 80 : i32
    %barrier3A_8 = arith.constant 0 : index
    tpu.barrier barrier_id(%barrier3A_8)
    "tpu.region"() ({
      %run_scoped3A = tpu.sem_alloc : memref<!tpu.dma_semaphore, #tpu.memory_space<semaphore_mem>>
      %dma_start3A = arith.constant 0 : i32
      %dma_start3A_9 = tpu.memref_slice %arg6[%arg0, %mul3A_2, %dma_start3A] : memref<2x10240x144xf32, #tpu.memory_space<hbm>> -> memref<1x640x144xf32, #tpu.memory_space<hbm>>
      %dma_start3A_10 = tpu.memref_squeeze %dma_start3A_9 : memref<1x640x144xf32, #tpu.memory_space<hbm>> -> memref<640x144xf32, #tpu.memory_space<hbm>>
      %dma_start3A_11 = arith.constant 0 : i32
      %dma_start3A_12 = tpu.memref_slice %arg10[%mul3A_2, %dma_start3A_11] : memref<10240x144xf32, #tpu.memory_space<vmem_shared>> -> memref<640x144xf32, #tpu.memory_space<vmem_shared>>
      tpu.enqueue_dma source(%dma_start3A_12 : memref<640x144xf32, #tpu.memory_space<vmem_shared>>) target(%dma_start3A_10 : memref<640x144xf32, #tpu.memory_space<hbm>>) target_semaphore(%run_scoped3A : memref<!tpu.dma_semaphore, #tpu.memory_space<semaphore_mem>>)
      %dma_wait3A = arith.constant 0 : i32
      %dma_wait3A_13 = tpu.memref_slice %arg6[%arg0, %mul3A_2, %dma_wait3A] : memref<2x10240x144xf32, #tpu.memory_space<hbm>> -> memref<1x640x144xf32, #tpu.memory_space<hbm>>
      %dma_wait3A_14 = tpu.memref_squeeze %dma_wait3A_13 : memref<1x640x144xf32, #tpu.memory_space<hbm>> -> memref<640x144xf32, #tpu.memory_space<hbm>>
      %dma_wait3A_15 = arith.constant 0 : i32
      %dma_wait3A_16 = tpu.memref_slice %arg10[%mul3A_2, %dma_wait3A_15] : memref<10240x144xf32, #tpu.memory_space<vmem_shared>> -> memref<640x144xf32, #tpu.memory_space<vmem_shared>>
      tpu.wait_dma2 semaphore(%run_scoped3A : memref<!tpu.dma_semaphore, #tpu.memory_space<semaphore_mem>>) src(%dma_wait3A_16 : memref<640x144xf32, #tpu.memory_space<vmem_shared>>) dst(%dma_wait3A_14 : memref<640x144xf32, #tpu.memory_space<hbm>>)
      tpu.yield
    }) : () -> ()
    return
  }
}

#map = affine_map<(d0, d1) -> (0, 0, 0)>
#map1 = affine_map<(d0, d1) -> (0)>
module attributes {stable_mosaic.version = 14 : i64} {
  func.func @deg_kernel(%arg0: i32, %arg1: i32, %arg2: memref<32x80x128xi32, #tpu.memory_space<hbm>>, %arg3: memref<32x80x128xi32, #tpu.memory_space<hbm>>, %arg4: memref<640xf32, #tpu.memory_space<hbm>>, %arg5: memref<2x2x10240xf32, #tpu.memory_space<hbm>>, %arg6: memref<80x128xi32, #tpu.memory_space<vmem>>, %arg7: memref<80x128xi32, #tpu.memory_space<vmem>>, %arg8: memref<128xf32, #tpu.memory_space<vmem>>, %arg9: memref<10240xf32, #tpu.memory_space<vmem_shared>>, %arg10: memref<10240xf32, #tpu.memory_space<vmem_shared>>) attributes {dimension_semantics = [#tpu.dimension_semantics<core_parallel>, #tpu.dimension_semantics<subcore_parallel>], iteration_bounds = array<i64: 2, 16>, scalar_prefetch = 0 : i64, scratch_operands = 5 : i64, tpu.core_type = #tpu.core_type<sc_vector_subcore>, window_params = [{transform_indices = #map}, {transform_indices = #map}, {transform_indices = #map1}, {transform_indices = #map}]} {
    %mul3A = arith.constant 2 : i32
    %mul3A_0 = arith.muli %arg1, %mul3A : i32
    %add3A = arith.addi %mul3A_0, %arg0 : i32
    %mul3A_1 = arith.constant 640 : i32
    %mul3A_2 = arith.muli %arg1, %mul3A_1 : i32
    "tpu.region"() ({
      %run_scoped3A_56 = tpu.sem_alloc : memref<!tpu.dma_semaphore, #tpu.memory_space<semaphore_mem>>
      %dma_start3A = tpu.memref_slice %arg9[%mul3A_2] : memref<10240xf32, #tpu.memory_space<vmem_shared>> -> memref<640xf32, #tpu.memory_space<vmem_shared>>
      tpu.enqueue_dma source(%arg4 : memref<640xf32, #tpu.memory_space<hbm>>) target(%dma_start3A : memref<640xf32, #tpu.memory_space<vmem_shared>>) target_semaphore(%run_scoped3A_56 : memref<!tpu.dma_semaphore, #tpu.memory_space<semaphore_mem>>)
      %dma_wait3A = tpu.memref_slice %arg9[%mul3A_2] : memref<10240xf32, #tpu.memory_space<vmem_shared>> -> memref<640xf32, #tpu.memory_space<vmem_shared>>
      tpu.wait_dma2 semaphore(%run_scoped3A_56 : memref<!tpu.dma_semaphore, #tpu.memory_space<semaphore_mem>>) src(%arg4 : memref<640xf32, #tpu.memory_space<hbm>>) dst(%dma_wait3A : memref<640xf32, #tpu.memory_space<vmem_shared>>)
      tpu.yield
    }) : () -> ()
    "tpu.region"() ({
      %run_scoped3A_56 = tpu.sem_alloc : memref<!tpu.dma_semaphore, #tpu.memory_space<semaphore_mem>>
      %dma_start3A = tpu.memref_slice %arg10[%mul3A_2] : memref<10240xf32, #tpu.memory_space<vmem_shared>> -> memref<640xf32, #tpu.memory_space<vmem_shared>>
      tpu.enqueue_dma source(%arg4 : memref<640xf32, #tpu.memory_space<hbm>>) target(%dma_start3A : memref<640xf32, #tpu.memory_space<vmem_shared>>) target_semaphore(%run_scoped3A_56 : memref<!tpu.dma_semaphore, #tpu.memory_space<semaphore_mem>>)
      %dma_wait3A = tpu.memref_slice %arg10[%mul3A_2] : memref<10240xf32, #tpu.memory_space<vmem_shared>> -> memref<640xf32, #tpu.memory_space<vmem_shared>>
      tpu.wait_dma2 semaphore(%run_scoped3A_56 : memref<!tpu.dma_semaphore, #tpu.memory_space<semaphore_mem>>) src(%arg4 : memref<640xf32, #tpu.memory_space<hbm>>) dst(%dma_wait3A : memref<640xf32, #tpu.memory_space<vmem_shared>>)
      tpu.yield
    }) : () -> ()
    %broadcast_in_dim3A = arith.constant 1.000000e+00 : f32
    %broadcast_in_dim3A_3 = vector.broadcast %broadcast_in_dim3A : f32 to vector<16xf32>
    %swap3A = arith.constant 0 : index
    %swap3A_4 = tpu.vector_load %arg8[%swap3A] {strides = array<i32>} : memref<128xf32, #tpu.memory_space<vmem>>, vector<16xf32>,
    %swap3A_5 = vector.shape_cast %swap3A_4 : vector<16xf32> to vector<16xf32>
    %swap3A_6 = vector.shape_cast %broadcast_in_dim3A_3 : vector<16xf32> to vector<16xf32>
    tpu.vector_store %arg8[%swap3A], %swap3A_6 {strides = array<i32>} : memref<128xf32, #tpu.memory_space<vmem>>, vector<16xf32>,
    %broadcast_in_dim3A_7 = arith.constant 1.000000e+00 : f32
    %broadcast_in_dim3A_8 = vector.broadcast %broadcast_in_dim3A_7 : f32 to vector<16xf32>
    %swap3A_9 = arith.constant 16 : index
    %swap3A_10 = tpu.vector_load %arg8[%swap3A_9] {strides = array<i32>} : memref<128xf32, #tpu.memory_space<vmem>>, vector<16xf32>,
    %swap3A_11 = vector.shape_cast %swap3A_10 : vector<16xf32> to vector<16xf32>
    %swap3A_12 = vector.shape_cast %broadcast_in_dim3A_8 : vector<16xf32> to vector<16xf32>
    tpu.vector_store %arg8[%swap3A_9], %swap3A_12 {strides = array<i32>} : memref<128xf32, #tpu.memory_space<vmem>>, vector<16xf32>,
    %broadcast_in_dim3A_13 = arith.constant 1.000000e+00 : f32
    %broadcast_in_dim3A_14 = vector.broadcast %broadcast_in_dim3A_13 : f32 to vector<16xf32>
    %swap3A_15 = arith.constant 32 : index
    %swap3A_16 = tpu.vector_load %arg8[%swap3A_15] {strides = array<i32>} : memref<128xf32, #tpu.memory_space<vmem>>, vector<16xf32>,
    %swap3A_17 = vector.shape_cast %swap3A_16 : vector<16xf32> to vector<16xf32>
    %swap3A_18 = vector.shape_cast %broadcast_in_dim3A_14 : vector<16xf32> to vector<16xf32>
    tpu.vector_store %arg8[%swap3A_15], %swap3A_18 {strides = array<i32>} : memref<128xf32, #tpu.memory_space<vmem>>, vector<16xf32>,
    %broadcast_in_dim3A_19 = arith.constant 1.000000e+00 : f32
    %broadcast_in_dim3A_20 = vector.broadcast %broadcast_in_dim3A_19 : f32 to vector<16xf32>
    %swap3A_21 = arith.constant 48 : index
    %swap3A_22 = tpu.vector_load %arg8[%swap3A_21] {strides = array<i32>} : memref<128xf32, #tpu.memory_space<vmem>>, vector<16xf32>,
    %swap3A_23 = vector.shape_cast %swap3A_22 : vector<16xf32> to vector<16xf32>
    %swap3A_24 = vector.shape_cast %broadcast_in_dim3A_20 : vector<16xf32> to vector<16xf32>
    tpu.vector_store %arg8[%swap3A_21], %swap3A_24 {strides = array<i32>} : memref<128xf32, #tpu.memory_space<vmem>>, vector<16xf32>,
    %broadcast_in_dim3A_25 = arith.constant 1.000000e+00 : f32
    %broadcast_in_dim3A_26 = vector.broadcast %broadcast_in_dim3A_25 : f32 to vector<16xf32>
    %swap3A_27 = arith.constant 64 : index
    %swap3A_28 = tpu.vector_load %arg8[%swap3A_27] {strides = array<i32>} : memref<128xf32, #tpu.memory_space<vmem>>, vector<16xf32>,
    %swap3A_29 = vector.shape_cast %swap3A_28 : vector<16xf32> to vector<16xf32>
    %swap3A_30 = vector.shape_cast %broadcast_in_dim3A_26 : vector<16xf32> to vector<16xf32>
    tpu.vector_store %arg8[%swap3A_27], %swap3A_30 {strides = array<i32>} : memref<128xf32, #tpu.memory_space<vmem>>, vector<16xf32>,
    %broadcast_in_dim3A_31 = arith.constant 1.000000e+00 : f32
    %broadcast_in_dim3A_32 = vector.broadcast %broadcast_in_dim3A_31 : f32 to vector<16xf32>
    %swap3A_33 = arith.constant 80 : index
    %swap3A_34 = tpu.vector_load %arg8[%swap3A_33] {strides = array<i32>} : memref<128xf32, #tpu.memory_space<vmem>>, vector<16xf32>,
    %swap3A_35 = vector.shape_cast %swap3A_34 : vector<16xf32> to vector<16xf32>
    %swap3A_36 = vector.shape_cast %broadcast_in_dim3A_32 : vector<16xf32> to vector<16xf32>
    tpu.vector_store %arg8[%swap3A_33], %swap3A_36 {strides = array<i32>} : memref<128xf32, #tpu.memory_space<vmem>>, vector<16xf32>,
    %broadcast_in_dim3A_37 = arith.constant 1.000000e+00 : f32
    %broadcast_in_dim3A_38 = vector.broadcast %broadcast_in_dim3A_37 : f32 to vector<16xf32>
    %swap3A_39 = arith.constant 96 : index
    %swap3A_40 = tpu.vector_load %arg8[%swap3A_39] {strides = array<i32>} : memref<128xf32, #tpu.memory_space<vmem>>, vector<16xf32>,
    %swap3A_41 = vector.shape_cast %swap3A_40 : vector<16xf32> to vector<16xf32>
    %swap3A_42 = vector.shape_cast %broadcast_in_dim3A_38 : vector<16xf32> to vector<16xf32>
    tpu.vector_store %arg8[%swap3A_39], %swap3A_42 {strides = array<i32>} : memref<128xf32, #tpu.memory_space<vmem>>, vector<16xf32>,
    %broadcast_in_dim3A_43 = arith.constant 1.000000e+00 : f32
    %broadcast_in_dim3A_44 = vector.broadcast %broadcast_in_dim3A_43 : f32 to vector<16xf32>
    %swap3A_45 = arith.constant 112 : index
    %swap3A_46 = tpu.vector_load %arg8[%swap3A_45] {strides = array<i32>} : memref<128xf32, #tpu.memory_space<vmem>>, vector<16xf32>,
    %swap3A_47 = vector.shape_cast %swap3A_46 : vector<16xf32> to vector<16xf32>
    %swap3A_48 = vector.shape_cast %broadcast_in_dim3A_44 : vector<16xf32> to vector<16xf32>
    tpu.vector_store %arg8[%swap3A_45], %swap3A_48 {strides = array<i32>} : memref<128xf32, #tpu.memory_space<vmem>>, vector<16xf32>,
    "tpu.region"() ({
      %run_scoped3A_56 = tpu.sem_alloc : memref<!tpu.dma_semaphore, #tpu.memory_space<semaphore_mem>>
      %dma_start3A = arith.constant 0 : i32
      %dma_start3A_57 = arith.constant 0 : i32
      %dma_start3A_58 = tpu.memref_slice %arg2[%add3A, %dma_start3A, %dma_start3A_57] : memref<32x80x128xi32, #tpu.memory_space<hbm>> -> memref<1x80x128xi32, #tpu.memory_space<hbm>>
      %dma_start3A_59 = tpu.memref_squeeze %dma_start3A_58 : memref<1x80x128xi32, #tpu.memory_space<hbm>> -> memref<80x128xi32, #tpu.memory_space<hbm>>
      %dma_start3A_60 = arith.constant 0 : i32
      %dma_start3A_61 = arith.constant 0 : i32
      %dma_start3A_62 = tpu.memref_slice %arg2[%add3A, %dma_start3A_60, %dma_start3A_61] : memref<32x80x128xi32, #tpu.memory_space<hbm>> -> memref<1x80x128xi32, #tpu.memory_space<hbm>>
      %dma_start3A_63 = tpu.memref_squeeze %dma_start3A_62 : memref<1x80x128xi32, #tpu.memory_space<hbm>> -> memref<80x128xi32, #tpu.memory_space<hbm>>
      tpu.enqueue_dma source(%dma_start3A_63 : memref<80x128xi32, #tpu.memory_space<hbm>>) target(%arg6 : memref<80x128xi32, #tpu.memory_space<vmem>>) target_semaphore(%run_scoped3A_56 : memref<!tpu.dma_semaphore, #tpu.memory_space<semaphore_mem>>)
      %dma_wait3A = arith.constant 0 : i32
      %dma_wait3A_64 = arith.constant 0 : i32
      %dma_wait3A_65 = tpu.memref_slice %arg2[%add3A, %dma_wait3A, %dma_wait3A_64] : memref<32x80x128xi32, #tpu.memory_space<hbm>> -> memref<1x80x128xi32, #tpu.memory_space<hbm>>
      %dma_wait3A_66 = tpu.memref_squeeze %dma_wait3A_65 : memref<1x80x128xi32, #tpu.memory_space<hbm>> -> memref<80x128xi32, #tpu.memory_space<hbm>>
      %dma_wait3A_67 = arith.constant 0 : i32
      %dma_wait3A_68 = arith.constant 0 : i32
      %dma_wait3A_69 = tpu.memref_slice %arg2[%add3A, %dma_wait3A_67, %dma_wait3A_68] : memref<32x80x128xi32, #tpu.memory_space<hbm>> -> memref<1x80x128xi32, #tpu.memory_space<hbm>>
      %dma_wait3A_70 = tpu.memref_squeeze %dma_wait3A_69 : memref<1x80x128xi32, #tpu.memory_space<hbm>> -> memref<80x128xi32, #tpu.memory_space<hbm>>
      tpu.wait_dma2 semaphore(%run_scoped3A_56 : memref<!tpu.dma_semaphore, #tpu.memory_space<semaphore_mem>>) src(%dma_wait3A_70 : memref<80x128xi32, #tpu.memory_space<hbm>>) dst(%arg6 : memref<80x128xi32, #tpu.memory_space<vmem>>)
      tpu.yield
    }) : () -> ()
    "tpu.region"() ({
      %run_scoped3A_56 = tpu.sem_alloc : memref<!tpu.dma_semaphore, #tpu.memory_space<semaphore_mem>>
      %dma_start3A = arith.constant 0 : i32
      %dma_start3A_57 = arith.constant 0 : i32
      %dma_start3A_58 = tpu.memref_slice %arg3[%add3A, %dma_start3A, %dma_start3A_57] : memref<32x80x128xi32, #tpu.memory_space<hbm>> -> memref<1x80x128xi32, #tpu.memory_space<hbm>>
      %dma_start3A_59 = tpu.memref_squeeze %dma_start3A_58 : memref<1x80x128xi32, #tpu.memory_space<hbm>> -> memref<80x128xi32, #tpu.memory_space<hbm>>
      %dma_start3A_60 = arith.constant 0 : i32
      %dma_start3A_61 = arith.constant 0 : i32
      %dma_start3A_62 = tpu.memref_slice %arg3[%add3A, %dma_start3A_60, %dma_start3A_61] : memref<32x80x128xi32, #tpu.memory_space<hbm>> -> memref<1x80x128xi32, #tpu.memory_space<hbm>>
      %dma_start3A_63 = tpu.memref_squeeze %dma_start3A_62 : memref<1x80x128xi32, #tpu.memory_space<hbm>> -> memref<80x128xi32, #tpu.memory_space<hbm>>
      tpu.enqueue_dma source(%dma_start3A_63 : memref<80x128xi32, #tpu.memory_space<hbm>>) target(%arg7 : memref<80x128xi32, #tpu.memory_space<vmem>>) target_semaphore(%run_scoped3A_56 : memref<!tpu.dma_semaphore, #tpu.memory_space<semaphore_mem>>)
      %dma_wait3A = arith.constant 0 : i32
      %dma_wait3A_64 = arith.constant 0 : i32
      %dma_wait3A_65 = tpu.memref_slice %arg3[%add3A, %dma_wait3A, %dma_wait3A_64] : memref<32x80x128xi32, #tpu.memory_space<hbm>> -> memref<1x80x128xi32, #tpu.memory_space<hbm>>
      %dma_wait3A_66 = tpu.memref_squeeze %dma_wait3A_65 : memref<1x80x128xi32, #tpu.memory_space<hbm>> -> memref<80x128xi32, #tpu.memory_space<hbm>>
      %dma_wait3A_67 = arith.constant 0 : i32
      %dma_wait3A_68 = arith.constant 0 : i32
      %dma_wait3A_69 = tpu.memref_slice %arg3[%add3A, %dma_wait3A_67, %dma_wait3A_68] : memref<32x80x128xi32, #tpu.memory_space<hbm>> -> memref<1x80x128xi32, #tpu.memory_space<hbm>>
      %dma_wait3A_70 = tpu.memref_squeeze %dma_wait3A_69 : memref<1x80x128xi32, #tpu.memory_space<hbm>> -> memref<80x128xi32, #tpu.memory_space<hbm>>
      tpu.wait_dma2 semaphore(%run_scoped3A_56 : memref<!tpu.dma_semaphore, #tpu.memory_space<semaphore_mem>>) src(%dma_wait3A_70 : memref<80x128xi32, #tpu.memory_space<hbm>>) dst(%arg7 : memref<80x128xi32, #tpu.memory_space<vmem>>)
      tpu.yield
    }) : () -> ()
    %barrier3A = arith.constant 0 : index
    tpu.barrier barrier_id(%barrier3A)
    %scan3A = arith.constant 0 : i32
    %scan3A_49 = arith.constant 0 : i32
    %scan3A_50 = arith.constant 80 : i32
    %scan3A_51 = arith.addi %scan3A_49, %scan3A_50 : i32
    %scan3A_52 = arith.constant 1 : i32
    scf.for %scan3A_56 = %scan3A_49 to %scan3A_51 step %scan3A_52  : i32 {
      "tpu.region"() ({
        %run_scoped3A_57 = tpu.sem_alloc : memref<!tpu.dma_semaphore, #tpu.memory_space<semaphore_mem>>
        %dma_start3A = arith.constant 0 : i32
        %dma_start3A_58 = tpu.memref_slice %arg6[%scan3A_56, %dma_start3A] : memref<80x128xi32, #tpu.memory_space<vmem>> -> memref<1x128xi32, #tpu.memory_space<vmem>>
        %dma_start3A_59 = tpu.memref_squeeze %dma_start3A_58 : memref<1x128xi32, #tpu.memory_space<vmem>> -> memref<128xi32, #tpu.memory_space<vmem>>
        %dma_start3A_60 = arith.constant 0 : i32
        %dma_start3A_61 = tpu.memref_slice %arg9[%dma_start3A_60] : memref<10240xf32, #tpu.memory_space<vmem_shared>> -> memref<10240xf32, #tpu.memory_space<vmem_shared>>
        tpu.enqueue_indirect_dma source(%arg8 : memref<128xf32, #tpu.memory_space<vmem>>) target(%dma_start3A_61 : memref<10240xf32, #tpu.memory_space<vmem_shared>>) offsets(%dma_start3A_59 : memref<128xi32, #tpu.memory_space<vmem>>) semaphore(%run_scoped3A_57 : memref<!tpu.dma_semaphore, #tpu.memory_space<semaphore_mem>>) {add = true}
        %dma_wait3A = arith.constant 0 : i32
        %dma_wait3A_62 = tpu.memref_slice %arg6[%scan3A_56, %dma_wait3A] : memref<80x128xi32, #tpu.memory_space<vmem>> -> memref<1x128xi32, #tpu.memory_space<vmem>>
        %dma_wait3A_63 = tpu.memref_squeeze %dma_wait3A_62 : memref<1x128xi32, #tpu.memory_space<vmem>> -> memref<128xi32, #tpu.memory_space<vmem>>
        %dma_wait3A_64 = arith.constant 0 : i32
        %dma_wait3A_65 = tpu.memref_slice %arg9[%dma_wait3A_64] : memref<10240xf32, #tpu.memory_space<vmem_shared>> -> memref<10240xf32, #tpu.memory_space<vmem_shared>>
        tpu.wait_indirect_dma semaphore(%run_scoped3A_57 : memref<!tpu.dma_semaphore, #tpu.memory_space<semaphore_mem>>) src(%arg8 : memref<128xf32, #tpu.memory_space<vmem>>) dst(%dma_wait3A_65 : memref<10240xf32, #tpu.memory_space<vmem_shared>>)
        tpu.yield
      }) : () -> ()
      "tpu.region"() ({
        %run_scoped3A_57 = tpu.sem_alloc : memref<!tpu.dma_semaphore, #tpu.memory_space<semaphore_mem>>
        %dma_start3A = arith.constant 0 : i32
        %dma_start3A_58 = tpu.memref_slice %arg7[%scan3A_56, %dma_start3A] : memref<80x128xi32, #tpu.memory_space<vmem>> -> memref<1x128xi32, #tpu.memory_space<vmem>>
        %dma_start3A_59 = tpu.memref_squeeze %dma_start3A_58 : memref<1x128xi32, #tpu.memory_space<vmem>> -> memref<128xi32, #tpu.memory_space<vmem>>
        %dma_start3A_60 = arith.constant 0 : i32
        %dma_start3A_61 = tpu.memref_slice %arg10[%dma_start3A_60] : memref<10240xf32, #tpu.memory_space<vmem_shared>> -> memref<10240xf32, #tpu.memory_space<vmem_shared>>
        tpu.enqueue_indirect_dma source(%arg8 : memref<128xf32, #tpu.memory_space<vmem>>) target(%dma_start3A_61 : memref<10240xf32, #tpu.memory_space<vmem_shared>>) offsets(%dma_start3A_59 : memref<128xi32, #tpu.memory_space<vmem>>) semaphore(%run_scoped3A_57 : memref<!tpu.dma_semaphore, #tpu.memory_space<semaphore_mem>>) {add = true}
        %dma_wait3A = arith.constant 0 : i32
        %dma_wait3A_62 = tpu.memref_slice %arg7[%scan3A_56, %dma_wait3A] : memref<80x128xi32, #tpu.memory_space<vmem>> -> memref<1x128xi32, #tpu.memory_space<vmem>>
        %dma_wait3A_63 = tpu.memref_squeeze %dma_wait3A_62 : memref<1x128xi32, #tpu.memory_space<vmem>> -> memref<128xi32, #tpu.memory_space<vmem>>
        %dma_wait3A_64 = arith.constant 0 : i32
        %dma_wait3A_65 = tpu.memref_slice %arg10[%dma_wait3A_64] : memref<10240xf32, #tpu.memory_space<vmem_shared>> -> memref<10240xf32, #tpu.memory_space<vmem_shared>>
        tpu.wait_indirect_dma semaphore(%run_scoped3A_57 : memref<!tpu.dma_semaphore, #tpu.memory_space<semaphore_mem>>) src(%arg8 : memref<128xf32, #tpu.memory_space<vmem>>) dst(%dma_wait3A_65 : memref<10240xf32, #tpu.memory_space<vmem_shared>>)
        tpu.yield
      }) : () -> ()
    }
    %scan3A_53 = arith.constant 80 : i32
    %barrier3A_54 = arith.constant 0 : index
    tpu.barrier barrier_id(%barrier3A_54)
    %run_scoped3A = arith.constant 0 : i32
    "tpu.region"() ({
      %run_scoped3A_56 = tpu.sem_alloc : memref<!tpu.dma_semaphore, #tpu.memory_space<semaphore_mem>>
      %dma_start3A = tpu.memref_slice %arg5[%arg0, %run_scoped3A, %mul3A_2] : memref<2x2x10240xf32, #tpu.memory_space<hbm>> -> memref<1x1x640xf32, #tpu.memory_space<hbm>>
      %dma_start3A_57 = tpu.memref_squeeze %dma_start3A : memref<1x1x640xf32, #tpu.memory_space<hbm>> -> memref<640xf32, #tpu.memory_space<hbm>>
      %dma_start3A_58 = tpu.memref_slice %arg9[%mul3A_2] : memref<10240xf32, #tpu.memory_space<vmem_shared>> -> memref<640xf32, #tpu.memory_space<vmem_shared>>
      tpu.enqueue_dma source(%dma_start3A_58 : memref<640xf32, #tpu.memory_space<vmem_shared>>) target(%dma_start3A_57 : memref<640xf32, #tpu.memory_space<hbm>>) target_semaphore(%run_scoped3A_56 : memref<!tpu.dma_semaphore, #tpu.memory_space<semaphore_mem>>)
      %dma_wait3A = tpu.memref_slice %arg5[%arg0, %run_scoped3A, %mul3A_2] : memref<2x2x10240xf32, #tpu.memory_space<hbm>> -> memref<1x1x640xf32, #tpu.memory_space<hbm>>
      %dma_wait3A_59 = tpu.memref_squeeze %dma_wait3A : memref<1x1x640xf32, #tpu.memory_space<hbm>> -> memref<640xf32, #tpu.memory_space<hbm>>
      %dma_wait3A_60 = tpu.memref_slice %arg9[%mul3A_2] : memref<10240xf32, #tpu.memory_space<vmem_shared>> -> memref<640xf32, #tpu.memory_space<vmem_shared>>
      tpu.wait_dma2 semaphore(%run_scoped3A_56 : memref<!tpu.dma_semaphore, #tpu.memory_space<semaphore_mem>>) src(%dma_wait3A_60 : memref<640xf32, #tpu.memory_space<vmem_shared>>) dst(%dma_wait3A_59 : memref<640xf32, #tpu.memory_space<hbm>>)
      tpu.yield
    }) : () -> ()
    %run_scoped3A_55 = arith.constant 1 : i32
    "tpu.region"() ({
      %run_scoped3A_56 = tpu.sem_alloc : memref<!tpu.dma_semaphore, #tpu.memory_space<semaphore_mem>>
      %dma_start3A = tpu.memref_slice %arg5[%arg0, %run_scoped3A_55, %mul3A_2] : memref<2x2x10240xf32, #tpu.memory_space<hbm>> -> memref<1x1x640xf32, #tpu.memory_space<hbm>>
      %dma_start3A_57 = tpu.memref_squeeze %dma_start3A : memref<1x1x640xf32, #tpu.memory_space<hbm>> -> memref<640xf32, #tpu.memory_space<hbm>>
      %dma_start3A_58 = tpu.memref_slice %arg10[%mul3A_2] : memref<10240xf32, #tpu.memory_space<vmem_shared>> -> memref<640xf32, #tpu.memory_space<vmem_shared>>
      tpu.enqueue_dma source(%dma_start3A_58 : memref<640xf32, #tpu.memory_space<vmem_shared>>) target(%dma_start3A_57 : memref<640xf32, #tpu.memory_space<hbm>>) target_semaphore(%run_scoped3A_56 : memref<!tpu.dma_semaphore, #tpu.memory_space<semaphore_mem>>)
      %dma_wait3A = tpu.memref_slice %arg5[%arg0, %run_scoped3A_55, %mul3A_2] : memref<2x2x10240xf32, #tpu.memory_space<hbm>> -> memref<1x1x640xf32, #tpu.memory_space<hbm>>
      %dma_wait3A_59 = tpu.memref_squeeze %dma_wait3A : memref<1x1x640xf32, #tpu.memory_space<hbm>> -> memref<640xf32, #tpu.memory_space<hbm>>
      %dma_wait3A_60 = tpu.memref_slice %arg10[%mul3A_2] : memref<10240xf32, #tpu.memory_space<vmem_shared>> -> memref<640xf32, #tpu.memory_space<vmem_shared>>
      tpu.wait_dma2 semaphore(%run_scoped3A_56 : memref<!tpu.dma_semaphore, #tpu.memory_space<semaphore_mem>>) src(%dma_wait3A_60 : memref<640xf32, #tpu.memory_space<vmem_shared>>) dst(%dma_wait3A_59 : memref<640xf32, #tpu.memory_space<hbm>>)
      tpu.yield
    }) : () -> ()
    return
  }
}

#map = affine_map<(d0, d1) -> (0, 0)>
#map1 = affine_map<(d0, d1) -> (0, 0, 0)>
module attributes {stable_mosaic.version = 14 : i64} {
  func.func @gs_kernel(%arg0: i32, %arg1: i32, %arg2: memref<10240x144xf32, #tpu.memory_space<hbm>>, %arg3: memref<32x80x128xi32, #tpu.memory_space<hbm>>, %arg4: memref<32x80x128xi32, #tpu.memory_space<hbm>>, %arg5: memref<640x144xf32, #tpu.memory_space<hbm>>, %arg6: memref<2x10240x144xf32, #tpu.memory_space<hbm>>, %arg7: memref<80x128xi32, #tpu.memory_space<vmem>>, %arg8: memref<80x128xi32, #tpu.memory_space<vmem>>, %arg9: memref<128x144xf32, #tpu.memory_space<vmem>>, %arg10: memref<10240x144xf32, #tpu.memory_space<vmem_shared>>, %arg11: memref<!tpu.dma_semaphore, #tpu.memory_space<semaphore_mem>>) attributes {dimension_semantics = [#tpu.dimension_semantics<core_parallel>, #tpu.dimension_semantics<subcore_parallel>], iteration_bounds = array<i64: 2, 16>, scalar_prefetch = 0 : i64, scratch_operands = 5 : i64, tpu.core_type = #tpu.core_type<sc_vector_subcore>, window_params = [{transform_indices = #map}, {transform_indices = #map1}, {transform_indices = #map1}, {transform_indices = #map}, {transform_indices = #map1}]} {
    %mul3A = arith.constant 2 : i32
    %mul3A_0 = arith.muli %arg1, %mul3A : i32
    %add3A = arith.addi %mul3A_0, %arg0 : i32
    %mul3A_1 = arith.constant 640 : i32
    %mul3A_2 = arith.muli %arg1, %mul3A_1 : i32
    "tpu.region"() ({
      %run_scoped3A = tpu.sem_alloc : memref<!tpu.dma_semaphore, #tpu.memory_space<semaphore_mem>>
      %dma_start3A = arith.constant 0 : i32
      %dma_start3A_9 = tpu.memref_slice %arg10[%mul3A_2, %dma_start3A] : memref<10240x144xf32, #tpu.memory_space<vmem_shared>> -> memref<640x144xf32, #tpu.memory_space<vmem_shared>>
      tpu.enqueue_dma source(%arg5 : memref<640x144xf32, #tpu.memory_space<hbm>>) target(%dma_start3A_9 : memref<640x144xf32, #tpu.memory_space<vmem_shared>>) target_semaphore(%run_scoped3A : memref<!tpu.dma_semaphore, #tpu.memory_space<semaphore_mem>>)
      %dma_wait3A = arith.constant 0 : i32
      %dma_wait3A_10 = tpu.memref_slice %arg10[%mul3A_2, %dma_wait3A] : memref<10240x144xf32, #tpu.memory_space<vmem_shared>> -> memref<640x144xf32, #tpu.memory_space<vmem_shared>>
      tpu.wait_dma2 semaphore(%run_scoped3A : memref<!tpu.dma_semaphore, #tpu.memory_space<semaphore_mem>>) src(%arg5 : memref<640x144xf32, #tpu.memory_space<hbm>>) dst(%dma_wait3A_10 : memref<640x144xf32, #tpu.memory_space<vmem_shared>>)
      tpu.yield
    }) : () -> ()
    "tpu.region"() ({
      %run_scoped3A = tpu.sem_alloc : memref<!tpu.dma_semaphore, #tpu.memory_space<semaphore_mem>>
      %dma_start3A = arith.constant 0 : i32
      %dma_start3A_9 = arith.constant 0 : i32
      %dma_start3A_10 = tpu.memref_slice %arg3[%add3A, %dma_start3A, %dma_start3A_9] : memref<32x80x128xi32, #tpu.memory_space<hbm>> -> memref<1x80x128xi32, #tpu.memory_space<hbm>>
      %dma_start3A_11 = tpu.memref_squeeze %dma_start3A_10 : memref<1x80x128xi32, #tpu.memory_space<hbm>> -> memref<80x128xi32, #tpu.memory_space<hbm>>
      %dma_start3A_12 = arith.constant 0 : i32
      %dma_start3A_13 = arith.constant 0 : i32
      %dma_start3A_14 = tpu.memref_slice %arg3[%add3A, %dma_start3A_12, %dma_start3A_13] : memref<32x80x128xi32, #tpu.memory_space<hbm>> -> memref<1x80x128xi32, #tpu.memory_space<hbm>>
      %dma_start3A_15 = tpu.memref_squeeze %dma_start3A_14 : memref<1x80x128xi32, #tpu.memory_space<hbm>> -> memref<80x128xi32, #tpu.memory_space<hbm>>
      tpu.enqueue_dma source(%dma_start3A_15 : memref<80x128xi32, #tpu.memory_space<hbm>>) target(%arg7 : memref<80x128xi32, #tpu.memory_space<vmem>>) target_semaphore(%run_scoped3A : memref<!tpu.dma_semaphore, #tpu.memory_space<semaphore_mem>>)
      %dma_wait3A = arith.constant 0 : i32
      %dma_wait3A_16 = arith.constant 0 : i32
      %dma_wait3A_17 = tpu.memref_slice %arg3[%add3A, %dma_wait3A, %dma_wait3A_16] : memref<32x80x128xi32, #tpu.memory_space<hbm>> -> memref<1x80x128xi32, #tpu.memory_space<hbm>>
      %dma_wait3A_18 = tpu.memref_squeeze %dma_wait3A_17 : memref<1x80x128xi32, #tpu.memory_space<hbm>> -> memref<80x128xi32, #tpu.memory_space<hbm>>
      %dma_wait3A_19 = arith.constant 0 : i32
      %dma_wait3A_20 = arith.constant 0 : i32
      %dma_wait3A_21 = tpu.memref_slice %arg3[%add3A, %dma_wait3A_19, %dma_wait3A_20] : memref<32x80x128xi32, #tpu.memory_space<hbm>> -> memref<1x80x128xi32, #tpu.memory_space<hbm>>
      %dma_wait3A_22 = tpu.memref_squeeze %dma_wait3A_21 : memref<1x80x128xi32, #tpu.memory_space<hbm>> -> memref<80x128xi32, #tpu.memory_space<hbm>>
      tpu.wait_dma2 semaphore(%run_scoped3A : memref<!tpu.dma_semaphore, #tpu.memory_space<semaphore_mem>>) src(%dma_wait3A_22 : memref<80x128xi32, #tpu.memory_space<hbm>>) dst(%arg7 : memref<80x128xi32, #tpu.memory_space<vmem>>)
      tpu.yield
    }) : () -> ()
    "tpu.region"() ({
      %run_scoped3A = tpu.sem_alloc : memref<!tpu.dma_semaphore, #tpu.memory_space<semaphore_mem>>
      %dma_start3A = arith.constant 0 : i32
      %dma_start3A_9 = arith.constant 0 : i32
      %dma_start3A_10 = tpu.memref_slice %arg4[%add3A, %dma_start3A, %dma_start3A_9] : memref<32x80x128xi32, #tpu.memory_space<hbm>> -> memref<1x80x128xi32, #tpu.memory_space<hbm>>
      %dma_start3A_11 = tpu.memref_squeeze %dma_start3A_10 : memref<1x80x128xi32, #tpu.memory_space<hbm>> -> memref<80x128xi32, #tpu.memory_space<hbm>>
      %dma_start3A_12 = arith.constant 0 : i32
      %dma_start3A_13 = arith.constant 0 : i32
      %dma_start3A_14 = tpu.memref_slice %arg4[%add3A, %dma_start3A_12, %dma_start3A_13] : memref<32x80x128xi32, #tpu.memory_space<hbm>> -> memref<1x80x128xi32, #tpu.memory_space<hbm>>
      %dma_start3A_15 = tpu.memref_squeeze %dma_start3A_14 : memref<1x80x128xi32, #tpu.memory_space<hbm>> -> memref<80x128xi32, #tpu.memory_space<hbm>>
      tpu.enqueue_dma source(%dma_start3A_15 : memref<80x128xi32, #tpu.memory_space<hbm>>) target(%arg8 : memref<80x128xi32, #tpu.memory_space<vmem>>) target_semaphore(%run_scoped3A : memref<!tpu.dma_semaphore, #tpu.memory_space<semaphore_mem>>)
      %dma_wait3A = arith.constant 0 : i32
      %dma_wait3A_16 = arith.constant 0 : i32
      %dma_wait3A_17 = tpu.memref_slice %arg4[%add3A, %dma_wait3A, %dma_wait3A_16] : memref<32x80x128xi32, #tpu.memory_space<hbm>> -> memref<1x80x128xi32, #tpu.memory_space<hbm>>
      %dma_wait3A_18 = tpu.memref_squeeze %dma_wait3A_17 : memref<1x80x128xi32, #tpu.memory_space<hbm>> -> memref<80x128xi32, #tpu.memory_space<hbm>>
      %dma_wait3A_19 = arith.constant 0 : i32
      %dma_wait3A_20 = arith.constant 0 : i32
      %dma_wait3A_21 = tpu.memref_slice %arg4[%add3A, %dma_wait3A_19, %dma_wait3A_20] : memref<32x80x128xi32, #tpu.memory_space<hbm>> -> memref<1x80x128xi32, #tpu.memory_space<hbm>>
      %dma_wait3A_22 = tpu.memref_squeeze %dma_wait3A_21 : memref<1x80x128xi32, #tpu.memory_space<hbm>> -> memref<80x128xi32, #tpu.memory_space<hbm>>
      tpu.wait_dma2 semaphore(%run_scoped3A : memref<!tpu.dma_semaphore, #tpu.memory_space<semaphore_mem>>) src(%dma_wait3A_22 : memref<80x128xi32, #tpu.memory_space<hbm>>) dst(%arg8 : memref<80x128xi32, #tpu.memory_space<vmem>>)
      tpu.yield
    }) : () -> ()
    %barrier3A = arith.constant 0 : index
    tpu.barrier barrier_id(%barrier3A)
    %scan3A = arith.constant 0 : i32
    %scan3A_3 = arith.constant 0 : i32
    %scan3A_4 = arith.constant 80 : i32
    %scan3A_5 = arith.addi %scan3A_3, %scan3A_4 : i32
    %scan3A_6 = arith.constant 1 : i32
    scf.for %scan3A_9 = %scan3A_3 to %scan3A_5 step %scan3A_6  : i32 {
      %dma_start3A = arith.constant 0 : i32
      %dma_start3A_10 = tpu.memref_slice %arg7[%scan3A_9, %dma_start3A] : memref<80x128xi32, #tpu.memory_space<vmem>> -> memref<1x128xi32, #tpu.memory_space<vmem>>
      %dma_start3A_11 = tpu.memref_squeeze %dma_start3A_10 : memref<1x128xi32, #tpu.memory_space<vmem>> -> memref<128xi32, #tpu.memory_space<vmem>>
      %dma_start3A_12 = arith.constant 0 : i32
      %dma_start3A_13 = arith.constant 0 : i32
      %dma_start3A_14 = tpu.memref_slice %arg2[%dma_start3A_12, %dma_start3A_13] : memref<10240x144xf32, #tpu.memory_space<hbm>> -> memref<10240x144xf32, #tpu.memory_space<hbm>>
      tpu.enqueue_indirect_dma source(%dma_start3A_14 : memref<10240x144xf32, #tpu.memory_space<hbm>>) target(%arg9 : memref<128x144xf32, #tpu.memory_space<vmem>>) offsets(%dma_start3A_11 : memref<128xi32, #tpu.memory_space<vmem>>) semaphore(%arg11 : memref<!tpu.dma_semaphore, #tpu.memory_space<semaphore_mem>>)
      %dma_wait3A = arith.constant 0 : i32
      %dma_wait3A_15 = tpu.memref_slice %arg7[%scan3A_9, %dma_wait3A] : memref<80x128xi32, #tpu.memory_space<vmem>> -> memref<1x128xi32, #tpu.memory_space<vmem>>
      %dma_wait3A_16 = tpu.memref_squeeze %dma_wait3A_15 : memref<1x128xi32, #tpu.memory_space<vmem>> -> memref<128xi32, #tpu.memory_space<vmem>>
      %dma_wait3A_17 = arith.constant 0 : i32
      %dma_wait3A_18 = arith.constant 0 : i32
      %dma_wait3A_19 = tpu.memref_slice %arg2[%dma_wait3A_17, %dma_wait3A_18] : memref<10240x144xf32, #tpu.memory_space<hbm>> -> memref<10240x144xf32, #tpu.memory_space<hbm>>
      tpu.wait_indirect_dma semaphore(%arg11 : memref<!tpu.dma_semaphore, #tpu.memory_space<semaphore_mem>>) src(%dma_wait3A_19 : memref<10240x144xf32, #tpu.memory_space<hbm>>) dst(%arg9 : memref<128x144xf32, #tpu.memory_space<vmem>>)
      "tpu.region"() ({
        %run_scoped3A = tpu.sem_alloc : memref<!tpu.dma_semaphore, #tpu.memory_space<semaphore_mem>>
        %dma_start3A_20 = arith.constant 0 : i32
        %dma_start3A_21 = tpu.memref_slice %arg8[%scan3A_9, %dma_start3A_20] : memref<80x128xi32, #tpu.memory_space<vmem>> -> memref<1x128xi32, #tpu.memory_space<vmem>>
        %dma_start3A_22 = tpu.memref_squeeze %dma_start3A_21 : memref<1x128xi32, #tpu.memory_space<vmem>> -> memref<128xi32, #tpu.memory_space<vmem>>
        %dma_start3A_23 = arith.constant 0 : i32
        %dma_start3A_24 = arith.constant 0 : i32
        %dma_start3A_25 = tpu.memref_slice %arg10[%dma_start3A_23, %dma_start3A_24] : memref<10240x144xf32, #tpu.memory_space<vmem_shared>> -> memref<10240x144xf32, #tpu.memory_space<vmem_shared>>
        tpu.enqueue_indirect_dma source(%arg9 : memref<128x144xf32, #tpu.memory_space<vmem>>) target(%dma_start3A_25 : memref<10240x144xf32, #tpu.memory_space<vmem_shared>>) offsets(%dma_start3A_22 : memref<128xi32, #tpu.memory_space<vmem>>) semaphore(%run_scoped3A : memref<!tpu.dma_semaphore, #tpu.memory_space<semaphore_mem>>) {add = true}
        %dma_wait3A_26 = arith.constant 0 : i32
        %dma_wait3A_27 = tpu.memref_slice %arg8[%scan3A_9, %dma_wait3A_26] : memref<80x128xi32, #tpu.memory_space<vmem>> -> memref<1x128xi32, #tpu.memory_space<vmem>>
        %dma_wait3A_28 = tpu.memref_squeeze %dma_wait3A_27 : memref<1x128xi32, #tpu.memory_space<vmem>> -> memref<128xi32, #tpu.memory_space<vmem>>
        %dma_wait3A_29 = arith.constant 0 : i32
        %dma_wait3A_30 = arith.constant 0 : i32
        %dma_wait3A_31 = tpu.memref_slice %arg10[%dma_wait3A_29, %dma_wait3A_30] : memref<10240x144xf32, #tpu.memory_space<vmem_shared>> -> memref<10240x144xf32, #tpu.memory_space<vmem_shared>>
        tpu.wait_indirect_dma semaphore(%run_scoped3A : memref<!tpu.dma_semaphore, #tpu.memory_space<semaphore_mem>>) src(%arg9 : memref<128x144xf32, #tpu.memory_space<vmem>>) dst(%dma_wait3A_31 : memref<10240x144xf32, #tpu.memory_space<vmem_shared>>)
        tpu.yield
      }) : () -> ()
    }
    %scan3A_7 = arith.constant 80 : i32
    %barrier3A_8 = arith.constant 0 : index
    tpu.barrier barrier_id(%barrier3A_8)
    "tpu.region"() ({
      %run_scoped3A = tpu.sem_alloc : memref<!tpu.dma_semaphore, #tpu.memory_space<semaphore_mem>>
      %dma_start3A = arith.constant 0 : i32
      %dma_start3A_9 = tpu.memref_slice %arg6[%arg0, %mul3A_2, %dma_start3A] : memref<2x10240x144xf32, #tpu.memory_space<hbm>> -> memref<1x640x144xf32, #tpu.memory_space<hbm>>
      %dma_start3A_10 = tpu.memref_squeeze %dma_start3A_9 : memref<1x640x144xf32, #tpu.memory_space<hbm>> -> memref<640x144xf32, #tpu.memory_space<hbm>>
      %dma_start3A_11 = arith.constant 0 : i32
      %dma_start3A_12 = tpu.memref_slice %arg10[%mul3A_2, %dma_start3A_11] : memref<10240x144xf32, #tpu.memory_space<vmem_shared>> -> memref<640x144xf32, #tpu.memory_space<vmem_shared>>
      tpu.enqueue_dma source(%dma_start3A_12 : memref<640x144xf32, #tpu.memory_space<vmem_shared>>) target(%dma_start3A_10 : memref<640x144xf32, #tpu.memory_space<hbm>>) target_semaphore(%run_scoped3A : memref<!tpu.dma_semaphore, #tpu.memory_space<semaphore_mem>>)
      %dma_wait3A = arith.constant 0 : i32
      %dma_wait3A_13 = tpu.memref_slice %arg6[%arg0, %mul3A_2, %dma_wait3A] : memref<2x10240x144xf32, #tpu.memory_space<hbm>> -> memref<1x640x144xf32, #tpu.memory_space<hbm>>
      %dma_wait3A_14 = tpu.memref_squeeze %dma_wait3A_13 : memref<1x640x144xf32, #tpu.memory_space<hbm>> -> memref<640x144xf32, #tpu.memory_space<hbm>>
      %dma_wait3A_15 = arith.constant 0 : i32
      %dma_wait3A_16 = tpu.memref_slice %arg10[%mul3A_2, %dma_wait3A_15] : memref<10240x144xf32, #tpu.memory_space<vmem_shared>> -> memref<640x144xf32, #tpu.memory_space<vmem_shared>>
      tpu.wait_dma2 semaphore(%run_scoped3A : memref<!tpu.dma_semaphore, #tpu.memory_space<semaphore_mem>>) src(%dma_wait3A_16 : memref<640x144xf32, #tpu.memory_space<vmem_shared>>) dst(%dma_wait3A_14 : memref<640x144xf32, #tpu.memory_space<hbm>>)
      tpu.yield
    }) : () -> ()
    return
  }
}

module attributes {stable_mosaic.version = 14 : i64} {
  func.func @prep_body(%arg0: i32, %arg1: memref<256x128xf32, #tpu.memory_space<vmem>>, %arg2: memref<2x256xf32, #tpu.memory_space<vmem>>, %arg3: memref<256x144xf32, #tpu.memory_space<vmem>>) attributes {dimension_semantics = [#tpu.dimension_semantics<arbitrary>], iteration_bounds = array<i64: 40>, scalar_prefetch = 0 : i64, scratch_operands = 0 : i64, tpu.core_type = #tpu.core_type<tc>, window_params = [{transform_indices = @transform_0, window_bounds = array<i64: 256, 128>}, {transform_indices = @transform_1, window_bounds = array<i64: 2, 256>}, {transform_indices = @transform_2, window_bounds = array<i64: 256, 144>}]} {
    %get3A = arith.constant 0 : index
    %get3A_0 = arith.constant 0 : index
    %get3A_1 = vector.load %arg2[%get3A, %get3A_0] : memref<2x256xf32, #tpu.memory_space<vmem>>, vector<1x256xf32>
    %get3A_2 = vector.shape_cast %get3A_1 : vector<1x256xf32> to vector<256xf32>
    %get3A_3 = arith.constant 1 : index
    %get3A_4 = arith.constant 0 : index
    %get3A_5 = vector.load %arg2[%get3A_3, %get3A_4] : memref<2x256xf32, #tpu.memory_space<vmem>>, vector<1x256xf32>
    %get3A_6 = vector.shape_cast %get3A_5 : vector<1x256xf32> to vector<256xf32>
    %add3A = arith.addf %get3A_2, %get3A_6 : vector<256xf32>
    %max3A = arith.constant 1.000000e+00 : f32
    %max3A_7 = vector.broadcast %max3A : f32 to vector<256xf32>
    %max3A_8 = arith.maximumf %add3A, %max3A_7 : vector<256xf32>
    %rsqrt3A = math.rsqrt %max3A_8 : vector<256xf32>
    %get3A_9 = arith.constant 0 : index
    %get3A_10 = arith.constant 0 : index
    %get3A_11 = vector.load %arg1[%get3A_9, %get3A_10] : memref<256x128xf32, #tpu.memory_space<vmem>>, vector<256x128xf32>
    %broadcast_in_dim3A = vector.shape_cast %rsqrt3A : vector<256xf32> to vector<256x1xf32>
    %mul3A = vector.broadcast %broadcast_in_dim3A : vector<256x1xf32> to vector<256x128xf32>
    %mul3A_12 = arith.mulf %get3A_11, %mul3A : vector<256x128xf32>
    %broadcast_in_dim3A_13 = vector.shape_cast %rsqrt3A : vector<256xf32> to vector<256x1xf32>
    %broadcast_in_dim3A_14 = arith.constant 0.000000e+00 : f32
    %broadcast_in_dim3A_15 = vector.broadcast %broadcast_in_dim3A_14 : f32 to vector<256x15xf32>
    %concatenate3A = tpu.concatenate %mul3A_12, %broadcast_in_dim3A_13, %broadcast_in_dim3A_15 in 1 : vector<256x128xf32>, vector<256x1xf32>, vector<256x15xf32> -> vector<256x144xf32>
    %swap3A = arith.constant 0 : index
    %swap3A_16 = arith.constant 0 : index
    %swap3A_17 = vector.load %arg3[%swap3A, %swap3A_16] : memref<256x144xf32, #tpu.memory_space<vmem>>, vector<256x144xf32>
    tpu.vector_store %arg3[%swap3A, %swap3A_16], %concatenate3A {strides = array<i32>} : memref<256x144xf32, #tpu.memory_space<vmem>>, vector<256x144xf32>,
    return
  }
  func.func @transform_0(%arg0: i32) -> (i32, i32) {
    %c0_i32 = arith.constant 0 : i32
    %c0_i32_0 = arith.constant 0 : i32
    return %arg0, %c0_i32 : i32, i32
  }
  func.func @transform_1(%arg0: i32) -> (i32, i32) {
    %c0_i32 = arith.constant 0 : i32
    %c0_i32_0 = arith.constant 0 : i32
    return %c0_i32, %arg0 : i32, i32
  }
  func.func @transform_2(%arg0: i32) -> (i32, i32) {
    %c0_i32 = arith.constant 0 : i32
    %c0_i32_0 = arith.constant 0 : i32
    return %arg0, %c0_i32 : i32, i32
  }
}

module attributes {stable_mosaic.version = 14 : i64} {
  func.func @layer_body(%arg0: i32, %arg1: memref<256x144xf32, #tpu.memory_space<vmem>>, %arg2: memref<256x144xf32, #tpu.memory_space<vmem>>, %arg3: memref<256x128xf32, #tpu.memory_space<vmem>>, %arg4: memref<2x256xf32, #tpu.memory_space<vmem>>, %arg5: memref<2x256xf32, #tpu.memory_space<vmem>>, %arg6: memref<128x128xf32, #tpu.memory_space<vmem>>, %arg7: memref<1x128xf32, #tpu.memory_space<vmem>>, %arg8: memref<128x128xf32, #tpu.memory_space<vmem>>, %arg9: memref<1x128xf32, #tpu.memory_space<vmem>>, %arg10: memref<256x128xf32, #tpu.memory_space<vmem>>, %arg11: memref<256x144xf32, #tpu.memory_space<vmem>>) attributes {dimension_semantics = [#tpu.dimension_semantics<arbitrary>], iteration_bounds = array<i64: 40>, scalar_prefetch = 0 : i64, scratch_operands = 0 : i64, tpu.core_type = #tpu.core_type<tc>, window_params = [{transform_indices = @transform_0, window_bounds = array<i64: 256, 144>}, {transform_indices = @transform_1, window_bounds = array<i64: 256, 144>}, {transform_indices = @transform_2, window_bounds = array<i64: 256, 128>}, {transform_indices = @transform_3, window_bounds = array<i64: 2, 256>}, {transform_indices = @transform_4, window_bounds = array<i64: 2, 256>}, {pipeline_mode = #tpu.pipeline_mode<synchronous>, transform_indices = @transform_5, window_bounds = array<i64: 128, 128>}, {pipeline_mode = #tpu.pipeline_mode<synchronous>, transform_indices = @transform_6, window_bounds = array<i64: 1, 128>}, {pipeline_mode = #tpu.pipeline_mode<synchronous>, transform_indices = @transform_7, window_bounds = array<i64: 128, 128>}, {pipeline_mode = #tpu.pipeline_mode<synchronous>, transform_indices = @transform_8, window_bounds = array<i64: 1, 128>}, {transform_indices = @transform_9, window_bounds = array<i64: 256, 128>}, {transform_indices = @transform_10, window_bounds = array<i64: 256, 144>}]} {
    %get3A = arith.constant 0 : index
    %get3A_0 = arith.constant 0 : index
    %get3A_1 = vector.load %arg5[%get3A, %get3A_0] : memref<2x256xf32, #tpu.memory_space<vmem>>, vector<1x256xf32>
    %get3A_2 = vector.shape_cast %get3A_1 : vector<1x256xf32> to vector<256xf32>
    %get3A_3 = arith.constant 1 : index
    %get3A_4 = arith.constant 0 : index
    %get3A_5 = vector.load %arg5[%get3A_3, %get3A_4] : memref<2x256xf32, #tpu.memory_space<vmem>>, vector<1x256xf32>
    %get3A_6 = vector.shape_cast %get3A_5 : vector<1x256xf32> to vector<256xf32>
    %add3A = arith.addf %get3A_2, %get3A_6 : vector<256xf32>
    %max3A = arith.constant 1.000000e+00 : f32
    %max3A_7 = vector.broadcast %max3A : f32 to vector<256xf32>
    %max3A_8 = arith.maximumf %add3A, %max3A_7 : vector<256xf32>
    %rsqrt3A = math.rsqrt %max3A_8 : vector<256xf32>
    %get3A_9 = arith.constant 0 : index
    %get3A_10 = arith.constant 0 : index
    %get3A_11 = vector.load %arg1[%get3A_9, %get3A_10] : memref<256x144xf32, #tpu.memory_space<vmem>>, vector<256x128xf32>
    %get3A_12 = arith.constant 0 : index
    %get3A_13 = arith.constant 0 : index
    %get3A_14 = vector.load %arg2[%get3A_12, %get3A_13] : memref<256x144xf32, #tpu.memory_space<vmem>>, vector<256x128xf32>
    %add3A_15 = arith.addf %get3A_11, %get3A_14 : vector<256x128xf32>
    %get3A_16 = arith.constant 0 : index
    %get3A_17 = arith.constant 128 : index
    %get3A_18 = vector.load %arg1[%get3A_16, %get3A_17] : memref<256x144xf32, #tpu.memory_space<vmem>>, vector<256x1xf32>
    %get3A_19 = vector.shape_cast %get3A_18 : vector<256x1xf32> to vector<256xf32>
    %get3A_20 = arith.constant 0 : index
    %get3A_21 = arith.constant 128 : index
    %get3A_22 = vector.load %arg2[%get3A_20, %get3A_21] : memref<256x144xf32, #tpu.memory_space<vmem>>, vector<256x1xf32>
    %get3A_23 = vector.shape_cast %get3A_22 : vector<256x1xf32> to vector<256xf32>
    %add3A_24 = arith.addf %get3A_19, %get3A_23 : vector<256xf32>
    %broadcast_in_dim3A = vector.shape_cast %rsqrt3A : vector<256xf32> to vector<256x1xf32>
    %mul3A = vector.broadcast %broadcast_in_dim3A : vector<256x1xf32> to vector<256x128xf32>
    %mul3A_25 = arith.mulf %add3A_15, %mul3A : vector<256x128xf32>
    %mul3A_26 = arith.mulf %add3A_24, %rsqrt3A : vector<256xf32>
    %get3A_27 = arith.constant 0 : index
    %get3A_28 = arith.constant 0 : index
    %get3A_29 = vector.load %arg3[%get3A_27, %get3A_28] : memref<256x128xf32, #tpu.memory_space<vmem>>, vector<256x128xf32>
    %add3A_30 = arith.addf %mul3A_25, %get3A_29 : vector<256x128xf32>
    %get3A_31 = arith.constant 0 : index
    %get3A_32 = arith.constant 0 : index
    %get3A_33 = vector.load %arg6[%get3A_31, %get3A_32] : memref<128x128xf32, #tpu.memory_space<vmem>>, vector<128x128xf32>
    %dot_general3A = arith.constant dense<0.000000e+00> : vector<256x128xf32>
    %dot_general3A_34 = tpu.matmul %add3A_30, %get3A_33, %dot_general3A {dimension_numbers = #tpu.dot_dimension_numbers<[1], [0], [0], [1], [0, 0, 1, 1], [], []>, transpose_lhs_hint = false} : vector<256x128xf32>, vector<128x128xf32>, vector<256x128xf32> -> vector<256x128xf32>
    %mul3A_35 = arith.mulf %get3A_29, %mul3A_25 : vector<256x128xf32>
    %get3A_36 = arith.constant 0 : index
    %get3A_37 = arith.constant 0 : index
    %get3A_38 = vector.load %arg8[%get3A_36, %get3A_37] : memref<128x128xf32, #tpu.memory_space<vmem>>, vector<128x128xf32>
    %dot_general3A_39 = arith.constant dense<0.000000e+00> : vector<256x128xf32>
    %dot_general3A_40 = tpu.matmul %mul3A_35, %get3A_38, %dot_general3A_39 {dimension_numbers = #tpu.dot_dimension_numbers<[1], [0], [0], [1], [0, 0, 1, 1], [], []>, transpose_lhs_hint = false} : vector<256x128xf32>, vector<128x128xf32>, vector<256x128xf32> -> vector<256x128xf32>
    %add3A_41 = arith.addf %dot_general3A_34, %dot_general3A_40 : vector<256x128xf32>
    %get3A_42 = arith.constant 0 : index
    %get3A_43 = arith.constant 0 : index
    %get3A_44 = vector.load %arg7[%get3A_42, %get3A_43] : memref<1x128xf32, #tpu.memory_space<vmem>>, vector<1x128xf32>
    %add3A_45 = arith.constant 1.000000e+00 : f32
    %add3A_46 = vector.broadcast %add3A_45 : f32 to vector<256xf32>
    %add3A_47 = arith.addf %add3A_46, %mul3A_26 : vector<256xf32>
    %broadcast_in_dim3A_48 = vector.shape_cast %add3A_47 : vector<256xf32> to vector<256x1xf32>
    %mul3A_49 = vector.broadcast %get3A_44 : vector<1x128xf32> to vector<256x128xf32>
    %mul3A_50 = vector.broadcast %broadcast_in_dim3A_48 : vector<256x1xf32> to vector<256x128xf32>
    %mul3A_51 = arith.mulf %mul3A_49, %mul3A_50 : vector<256x128xf32>
    %add3A_52 = arith.addf %add3A_41, %mul3A_51 : vector<256x128xf32>
    %get3A_53 = arith.constant 0 : index
    %get3A_54 = arith.constant 0 : index
    %get3A_55 = vector.load %arg9[%get3A_53, %get3A_54] : memref<1x128xf32, #tpu.memory_space<vmem>>, vector<1x128xf32>
    %broadcast_in_dim3A_56 = vector.shape_cast %mul3A_26 : vector<256xf32> to vector<256x1xf32>
    %mul3A_57 = vector.broadcast %get3A_55 : vector<1x128xf32> to vector<256x128xf32>
    %mul3A_58 = vector.broadcast %broadcast_in_dim3A_56 : vector<256x1xf32> to vector<256x128xf32>
    %mul3A_59 = arith.mulf %mul3A_57, %mul3A_58 : vector<256x128xf32>
    %add3A_60 = arith.addf %add3A_52, %mul3A_59 : vector<256x128xf32>
    %max3A_61 = arith.constant 0.000000e+00 : f32
    %max3A_62 = vector.broadcast %max3A_61 : f32 to vector<256x128xf32>
    %max3A_63 = arith.maximumf %add3A_60, %max3A_62 : vector<256x128xf32>
    %swap3A = arith.constant 0 : index
    %swap3A_64 = arith.constant 0 : index
    %swap3A_65 = vector.load %arg10[%swap3A, %swap3A_64] : memref<256x128xf32, #tpu.memory_space<vmem>>, vector<256x128xf32>
    tpu.vector_store %arg10[%swap3A, %swap3A_64], %max3A_63 {strides = array<i32>} : memref<256x128xf32, #tpu.memory_space<vmem>>, vector<256x128xf32>,
    %get3A_66 = arith.constant 0 : index
    %get3A_67 = arith.constant 0 : index
    %get3A_68 = vector.load %arg4[%get3A_66, %get3A_67] : memref<2x256xf32, #tpu.memory_space<vmem>>, vector<1x256xf32>
    %get3A_69 = vector.shape_cast %get3A_68 : vector<1x256xf32> to vector<256xf32>
    %get3A_70 = arith.constant 1 : index
    %get3A_71 = arith.constant 0 : index
    %get3A_72 = vector.load %arg4[%get3A_70, %get3A_71] : memref<2x256xf32, #tpu.memory_space<vmem>>, vector<1x256xf32>
    %get3A_73 = vector.shape_cast %get3A_72 : vector<1x256xf32> to vector<256xf32>
    %add3A_74 = arith.addf %get3A_69, %get3A_73 : vector<256xf32>
    %max3A_75 = arith.constant 1.000000e+00 : f32
    %max3A_76 = vector.broadcast %max3A_75 : f32 to vector<256xf32>
    %max3A_77 = arith.maximumf %add3A_74, %max3A_76 : vector<256xf32>
    %rsqrt3A_78 = math.rsqrt %max3A_77 : vector<256xf32>
    %broadcast_in_dim3A_79 = vector.shape_cast %rsqrt3A_78 : vector<256xf32> to vector<256x1xf32>
    %mul3A_80 = vector.broadcast %broadcast_in_dim3A_79 : vector<256x1xf32> to vector<256x128xf32>
    %mul3A_81 = arith.mulf %max3A_63, %mul3A_80 : vector<256x128xf32>
    %broadcast_in_dim3A_82 = vector.shape_cast %rsqrt3A_78 : vector<256xf32> to vector<256x1xf32>
    %broadcast_in_dim3A_83 = arith.constant 0.000000e+00 : f32
    %broadcast_in_dim3A_84 = vector.broadcast %broadcast_in_dim3A_83 : f32 to vector<256x15xf32>
    %concatenate3A = tpu.concatenate %mul3A_81, %broadcast_in_dim3A_82, %broadcast_in_dim3A_84 in 1 : vector<256x128xf32>, vector<256x1xf32>, vector<256x15xf32> -> vector<256x144xf32>
    %swap3A_85 = arith.constant 0 : index
    %swap3A_86 = arith.constant 0 : index
    %swap3A_87 = vector.load %arg11[%swap3A_85, %swap3A_86] : memref<256x144xf32, #tpu.memory_space<vmem>>, vector<256x144xf32>
    tpu.vector_store %arg11[%swap3A_85, %swap3A_86], %concatenate3A {strides = array<i32>} : memref<256x144xf32, #tpu.memory_space<vmem>>, vector<256x144xf32>,
    return
  }
  func.func @transform_0(%arg0: i32) -> (i32, i32) {
    %c0_i32 = arith.constant 0 : i32
    %c0_i32_0 = arith.constant 0 : i32
    return %arg0, %c0_i32 : i32, i32
  }
  func.func @transform_1(%arg0: i32) -> (i32, i32) {
    %c0_i32 = arith.constant 0 : i32
    %c0_i32_0 = arith.constant 0 : i32
    return %arg0, %c0_i32 : i32, i32
  }
  func.func @transform_2(%arg0: i32) -> (i32, i32) {
    %c0_i32 = arith.constant 0 : i32
    %c0_i32_0 = arith.constant 0 : i32
    return %arg0, %c0_i32 : i32, i32
  }
  func.func @transform_3(%arg0: i32) -> (i32, i32) {
    %c0_i32 = arith.constant 0 : i32
    %c0_i32_0 = arith.constant 0 : i32
    return %c0_i32, %arg0 : i32, i32
  }
  func.func @transform_4(%arg0: i32) -> (i32, i32) {
    %c0_i32 = arith.constant 0 : i32
    %c0_i32_0 = arith.constant 0 : i32
    return %c0_i32, %arg0 : i32, i32
  }
  func.func @transform_5(%arg0: i32) -> (i32, i32) {
    %c0_i32 = arith.constant 0 : i32
    %c0_i32_0 = arith.constant 0 : i32
    %c0_i32_1 = arith.constant 0 : i32
    return %c0_i32, %c0_i32_0 : i32, i32
  }
  func.func @transform_6(%arg0: i32) -> (i32, i32) {
    %c0_i32 = arith.constant 0 : i32
    %c0_i32_0 = arith.constant 0 : i32
    %c0_i32_1 = arith.constant 0 : i32
    return %c0_i32, %c0_i32_0 : i32, i32
  }
  func.func @transform_7(%arg0: i32) -> (i32, i32) {
    %c0_i32 = arith.constant 0 : i32
    %c0_i32_0 = arith.constant 0 : i32
    %c0_i32_1 = arith.constant 0 : i32
    return %c0_i32, %c0_i32_0 : i32, i32
  }
  func.func @transform_8(%arg0: i32) -> (i32, i32) {
    %c0_i32 = arith.constant 0 : i32
    %c0_i32_0 = arith.constant 0 : i32
    %c0_i32_1 = arith.constant 0 : i32
    return %c0_i32, %c0_i32_0 : i32, i32
  }
  func.func @transform_9(%arg0: i32) -> (i32, i32) {
    %c0_i32 = arith.constant 0 : i32
    %c0_i32_0 = arith.constant 0 : i32
    return %arg0, %c0_i32 : i32, i32
  }
  func.func @transform_10(%arg0: i32) -> (i32, i32) {
    %c0_i32 = arith.constant 0 : i32
    %c0_i32_0 = arith.constant 0 : i32
    return %arg0, %c0_i32 : i32, i32
  }
}

module attributes {stable_mosaic.version = 14 : i64} {
  func.func @layer_body(%arg0: i32, %arg1: memref<256x144xf32, #tpu.memory_space<vmem>>, %arg2: memref<256x144xf32, #tpu.memory_space<vmem>>, %arg3: memref<256x128xf32, #tpu.memory_space<vmem>>, %arg4: memref<2x256xf32, #tpu.memory_space<vmem>>, %arg5: memref<2x256xf32, #tpu.memory_space<vmem>>, %arg6: memref<128x128xf32, #tpu.memory_space<vmem>>, %arg7: memref<1x128xf32, #tpu.memory_space<vmem>>, %arg8: memref<128x128xf32, #tpu.memory_space<vmem>>, %arg9: memref<1x128xf32, #tpu.memory_space<vmem>>, %arg10: memref<256x128xf32, #tpu.memory_space<vmem>>) attributes {dimension_semantics = [#tpu.dimension_semantics<arbitrary>], iteration_bounds = array<i64: 40>, scalar_prefetch = 0 : i64, scratch_operands = 0 : i64, tpu.core_type = #tpu.core_type<tc>, window_params = [{transform_indices = @transform_0, window_bounds = array<i64: 256, 144>}, {transform_indices = @transform_1, window_bounds = array<i64: 256, 144>}, {transform_indices = @transform_2, window_bounds = array<i64: 256, 128>}, {transform_indices = @transform_3, window_bounds = array<i64: 2, 256>}, {transform_indices = @transform_4, window_bounds = array<i64: 2, 256>}, {pipeline_mode = #tpu.pipeline_mode<synchronous>, transform_indices = @transform_5, window_bounds = array<i64: 128, 128>}, {pipeline_mode = #tpu.pipeline_mode<synchronous>, transform_indices = @transform_6, window_bounds = array<i64: 1, 128>}, {pipeline_mode = #tpu.pipeline_mode<synchronous>, transform_indices = @transform_7, window_bounds = array<i64: 128, 128>}, {pipeline_mode = #tpu.pipeline_mode<synchronous>, transform_indices = @transform_8, window_bounds = array<i64: 1, 128>}, {transform_indices = @transform_9, window_bounds = array<i64: 256, 128>}]} {
    %get3A = arith.constant 0 : index
    %get3A_0 = arith.constant 0 : index
    %get3A_1 = vector.load %arg5[%get3A, %get3A_0] : memref<2x256xf32, #tpu.memory_space<vmem>>, vector<1x256xf32>
    %get3A_2 = vector.shape_cast %get3A_1 : vector<1x256xf32> to vector<256xf32>
    %get3A_3 = arith.constant 1 : index
    %get3A_4 = arith.constant 0 : index
    %get3A_5 = vector.load %arg5[%get3A_3, %get3A_4] : memref<2x256xf32, #tpu.memory_space<vmem>>, vector<1x256xf32>
    %get3A_6 = vector.shape_cast %get3A_5 : vector<1x256xf32> to vector<256xf32>
    %add3A = arith.addf %get3A_2, %get3A_6 : vector<256xf32>
    %max3A = arith.constant 1.000000e+00 : f32
    %max3A_7 = vector.broadcast %max3A : f32 to vector<256xf32>
    %max3A_8 = arith.maximumf %add3A, %max3A_7 : vector<256xf32>
    %rsqrt3A = math.rsqrt %max3A_8 : vector<256xf32>
    %get3A_9 = arith.constant 0 : index
    %get3A_10 = arith.constant 0 : index
    %get3A_11 = vector.load %arg1[%get3A_9, %get3A_10] : memref<256x144xf32, #tpu.memory_space<vmem>>, vector<256x128xf32>
    %get3A_12 = arith.constant 0 : index
    %get3A_13 = arith.constant 0 : index
    %get3A_14 = vector.load %arg2[%get3A_12, %get3A_13] : memref<256x144xf32, #tpu.memory_space<vmem>>, vector<256x128xf32>
    %add3A_15 = arith.addf %get3A_11, %get3A_14 : vector<256x128xf32>
    %get3A_16 = arith.constant 0 : index
    %get3A_17 = arith.constant 128 : index
    %get3A_18 = vector.load %arg1[%get3A_16, %get3A_17] : memref<256x144xf32, #tpu.memory_space<vmem>>, vector<256x1xf32>
    %get3A_19 = vector.shape_cast %get3A_18 : vector<256x1xf32> to vector<256xf32>
    %get3A_20 = arith.constant 0 : index
    %get3A_21 = arith.constant 128 : index
    %get3A_22 = vector.load %arg2[%get3A_20, %get3A_21] : memref<256x144xf32, #tpu.memory_space<vmem>>, vector<256x1xf32>
    %get3A_23 = vector.shape_cast %get3A_22 : vector<256x1xf32> to vector<256xf32>
    %add3A_24 = arith.addf %get3A_19, %get3A_23 : vector<256xf32>
    %broadcast_in_dim3A = vector.shape_cast %rsqrt3A : vector<256xf32> to vector<256x1xf32>
    %mul3A = vector.broadcast %broadcast_in_dim3A : vector<256x1xf32> to vector<256x128xf32>
    %mul3A_25 = arith.mulf %add3A_15, %mul3A : vector<256x128xf32>
    %mul3A_26 = arith.mulf %add3A_24, %rsqrt3A : vector<256xf32>
    %get3A_27 = arith.constant 0 : index
    %get3A_28 = arith.constant 0 : index
    %get3A_29 = vector.load %arg3[%get3A_27, %get3A_28] : memref<256x128xf32, #tpu.memory_space<vmem>>, vector<256x128xf32>
    %add3A_30 = arith.addf %mul3A_25, %get3A_29 : vector<256x128xf32>
    %get3A_31 = arith.constant 0 : index
    %get3A_32 = arith.constant 0 : index
    %get3A_33 = vector.load %arg6[%get3A_31, %get3A_32] : memref<128x128xf32, #tpu.memory_space<vmem>>, vector<128x128xf32>
    %dot_general3A = arith.constant dense<0.000000e+00> : vector<256x128xf32>
    %dot_general3A_34 = tpu.matmul %add3A_30, %get3A_33, %dot_general3A {dimension_numbers = #tpu.dot_dimension_numbers<[1], [0], [0], [1], [0, 0, 1, 1], [], []>, transpose_lhs_hint = false} : vector<256x128xf32>, vector<128x128xf32>, vector<256x128xf32> -> vector<256x128xf32>
    %mul3A_35 = arith.mulf %get3A_29, %mul3A_25 : vector<256x128xf32>
    %get3A_36 = arith.constant 0 : index
    %get3A_37 = arith.constant 0 : index
    %get3A_38 = vector.load %arg8[%get3A_36, %get3A_37] : memref<128x128xf32, #tpu.memory_space<vmem>>, vector<128x128xf32>
    %dot_general3A_39 = arith.constant dense<0.000000e+00> : vector<256x128xf32>
    %dot_general3A_40 = tpu.matmul %mul3A_35, %get3A_38, %dot_general3A_39 {dimension_numbers = #tpu.dot_dimension_numbers<[1], [0], [0], [1], [0, 0, 1, 1], [], []>, transpose_lhs_hint = false} : vector<256x128xf32>, vector<128x128xf32>, vector<256x128xf32> -> vector<256x128xf32>
    %add3A_41 = arith.addf %dot_general3A_34, %dot_general3A_40 : vector<256x128xf32>
    %get3A_42 = arith.constant 0 : index
    %get3A_43 = arith.constant 0 : index
    %get3A_44 = vector.load %arg7[%get3A_42, %get3A_43] : memref<1x128xf32, #tpu.memory_space<vmem>>, vector<1x128xf32>
    %add3A_45 = arith.constant 1.000000e+00 : f32
    %add3A_46 = vector.broadcast %add3A_45 : f32 to vector<256xf32>
    %add3A_47 = arith.addf %add3A_46, %mul3A_26 : vector<256xf32>
    %broadcast_in_dim3A_48 = vector.shape_cast %add3A_47 : vector<256xf32> to vector<256x1xf32>
    %mul3A_49 = vector.broadcast %get3A_44 : vector<1x128xf32> to vector<256x128xf32>
    %mul3A_50 = vector.broadcast %broadcast_in_dim3A_48 : vector<256x1xf32> to vector<256x128xf32>
    %mul3A_51 = arith.mulf %mul3A_49, %mul3A_50 : vector<256x128xf32>
    %add3A_52 = arith.addf %add3A_41, %mul3A_51 : vector<256x128xf32>
    %get3A_53 = arith.constant 0 : index
    %get3A_54 = arith.constant 0 : index
    %get3A_55 = vector.load %arg9[%get3A_53, %get3A_54] : memref<1x128xf32, #tpu.memory_space<vmem>>, vector<1x128xf32>
    %broadcast_in_dim3A_56 = vector.shape_cast %mul3A_26 : vector<256xf32> to vector<256x1xf32>
    %mul3A_57 = vector.broadcast %get3A_55 : vector<1x128xf32> to vector<256x128xf32>
    %mul3A_58 = vector.broadcast %broadcast_in_dim3A_56 : vector<256x1xf32> to vector<256x128xf32>
    %mul3A_59 = arith.mulf %mul3A_57, %mul3A_58 : vector<256x128xf32>
    %add3A_60 = arith.addf %add3A_52, %mul3A_59 : vector<256x128xf32>
    %max3A_61 = arith.constant 0.000000e+00 : f32
    %max3A_62 = vector.broadcast %max3A_61 : f32 to vector<256x128xf32>
    %max3A_63 = arith.maximumf %add3A_60, %max3A_62 : vector<256x128xf32>
    %min3A = arith.constant 0.000000e+00 : f32
    %min3A_64 = vector.broadcast %min3A : f32 to vector<256x128xf32>
    %min3A_65 = arith.minimumf %add3A_60, %min3A_64 : vector<256x128xf32>
    %mul3A_66 = arith.constant 2.000000e-01 : f32
    %mul3A_67 = vector.broadcast %mul3A_66 : f32 to vector<256x128xf32>
    %mul3A_68 = arith.mulf %mul3A_67, %min3A_65 : vector<256x128xf32>
    %add3A_69 = arith.addf %max3A_63, %mul3A_68 : vector<256x128xf32>
    %swap3A = arith.constant 0 : index
    %swap3A_70 = arith.constant 0 : index
    %swap3A_71 = vector.load %arg10[%swap3A, %swap3A_70] : memref<256x128xf32, #tpu.memory_space<vmem>>, vector<256x128xf32>
    tpu.vector_store %arg10[%swap3A, %swap3A_70], %add3A_69 {strides = array<i32>} : memref<256x128xf32, #tpu.memory_space<vmem>>, vector<256x128xf32>,
    return
  }
  func.func @transform_0(%arg0: i32) -> (i32, i32) {
    %c0_i32 = arith.constant 0 : i32
    %c0_i32_0 = arith.constant 0 : i32
    return %arg0, %c0_i32 : i32, i32
  }
  func.func @transform_1(%arg0: i32) -> (i32, i32) {
    %c0_i32 = arith.constant 0 : i32
    %c0_i32_0 = arith.constant 0 : i32
    return %arg0, %c0_i32 : i32, i32
  }
  func.func @transform_2(%arg0: i32) -> (i32, i32) {
    %c0_i32 = arith.constant 0 : i32
    %c0_i32_0 = arith.constant 0 : i32
    return %arg0, %c0_i32 : i32, i32
  }
  func.func @transform_3(%arg0: i32) -> (i32, i32) {
    %c0_i32 = arith.constant 0 : i32
    %c0_i32_0 = arith.constant 0 : i32
    return %c0_i32, %arg0 : i32, i32
  }
  func.func @transform_4(%arg0: i32) -> (i32, i32) {
    %c0_i32 = arith.constant 0 : i32
    %c0_i32_0 = arith.constant 0 : i32
    return %c0_i32, %arg0 : i32, i32
  }
  func.func @transform_5(%arg0: i32) -> (i32, i32) {
    %c0_i32 = arith.constant 0 : i32
    %c0_i32_0 = arith.constant 0 : i32
    %c0_i32_1 = arith.constant 0 : i32
    return %c0_i32, %c0_i32_0 : i32, i32
  }
  func.func @transform_6(%arg0: i32) -> (i32, i32) {
    %c0_i32 = arith.constant 0 : i32
    %c0_i32_0 = arith.constant 0 : i32
    %c0_i32_1 = arith.constant 0 : i32
    return %c0_i32, %c0_i32_0 : i32, i32
  }
  func.func @transform_7(%arg0: i32) -> (i32, i32) {
    %c0_i32 = arith.constant 0 : i32
    %c0_i32_0 = arith.constant 0 : i32
    %c0_i32_1 = arith.constant 0 : i32
    return %c0_i32, %c0_i32_0 : i32, i32
  }
  func.func @transform_8(%arg0: i32) -> (i32, i32) {
    %c0_i32 = arith.constant 0 : i32
    %c0_i32_0 = arith.constant 0 : i32
    %c0_i32_1 = arith.constant 0 : i32
    return %c0_i32, %c0_i32_0 : i32, i32
  }
  func.func @transform_9(%arg0: i32) -> (i32, i32) {
    %c0_i32 = arith.constant 0 : i32
    %c0_i32_0 = arith.constant 0 : i32
    return %arg0, %c0_i32 : i32, i32
  }
}

</mosaic_0001>

<sc_bundles>
// kernel: kernel.11.cloned.1.call-start
scs
__scs_entry_jumppad:
0x0: {  	(pc) =	sbr.rel $0x88, $3  }
0x1: {  	(tag) =	ssettag $0x0;
	lr =	simm.s32 $0x1  }
0x2: {  	[smem:$0x3F97] =	sst lr;
	_ =	strace $0xD0000000  }
0x3: {  	_ = 	snop  }
0x4: {  	_ = 	snop  }
0x5: {  	_ = 	snop  }
0x6: {  	_ = 	snop  }
0x7: {  	_ = 	snop  }
__scs_overlays_trampoline_lowered:
0x8: {  	[smem:$0x3FA6] =	sst s0  }
0x9: {  	[smem:$0x3FA7] =	sst s1  }
0xa: {  	[smem:$0x3FA8] =	sst s2  }
0xb: {  	[smem:$0x3FA9] =	sst s3  }
0xc: {  	[smem:$0x3FAA] =	sst s4  }
0xd: {  	[smem:$0x3FAB] =	sst s5  }
0xe: {  	[smem:$0x3FAC] =	sst s6  }
0xf: {  	[smem:$0x3FAD] =	sst s7  }
0x10: {  	[smem:$0x3FAE] =	sst s8  }
0x11: {  	[smem:$0x3FAF] =	sst s9;
	s0 =	simm.s32 @!p0 $0x0  }
0x12: {  	s1 =	sld [smem:$0x3F95];
	s0 =	simm.s32 @p0 $0x1  }
0x13: {  	[smem:$0x3FB0] =	sst s0;
	s0 =	simm.s32 @!p1 $0x0  }
0x14: {  	s2 =	sld [smem:$0x3F94];
	s0 =	simm.s32 @p1 $0x1  }
0x15: {  	[smem:$0x3FB1] =	sst s0;
	s0 =	simm.s32 @!p2 $0x0  }
0x16: {  	s3 =	sld [smem:$0x3FDB];
	s0 =	simm.s32 @p2 $0x1  }
0x17: {  	s4 =	simm.s32 $0x1BF5;
	[smem:$0x3FB3] =	sst s0  }
0x18: {  	s0 =	sld [smem:$0x3F96];
	_ =	swait.ge [sflag:s4], $0x0  }
0x19: {  	s7 =	sld [smem:$0x3F97]  }
0x1a: {  	s8 =	sadd.s32 $0xFFFFE003, lr  }
0x1b: {  	s9 =	sadd.s32 $0xFFFFFEF7, lr;
	s5 =	simm.s32 $0xFFFFFFFF;
	p2 =	slt.u32 s8, $0xFFFFF086  }
0x1c: {  	p1 =	slt.u32 s9, $0xF7A;
	s5 =	simm.s32 @!p2 $0x0  }
0x1d: {  	s5 =	simm.s32 @p1 $0x1;
	p0 =	seq.s32 s7, s2  }
0x1e: {  	s7 =	smul.u32 @!p0 $0xF7A, s2;
	p2 =	seq.s32 @!p0 s5, $0x0  }
0x1f: {  	s9 =	smul.u32 $0xF7A, s1;
	s8 =	simm.s32 @!p0 $0x1BF5;
	p2 =	por !p2, p0  }
0x20: {  	[sflag:s8] =	ssyncset.s32 @!p0 $0xFFFFF086;
	s6 =	sadd.s32 @!p0 s3, s7;
	s7 =	simm.s32 @!p0 $0x108  }
0x21: {  	s3 =	sadd.s32 s3, s9;
	s6 =	sadd.s32 @!p0 $0x88, s6;
	s7 =	simm.s32 @p2 $0x1082  }
0x22: {  	[simem:s7], [sflag:s8] =	dma.local @!p0 [hbm:s6], $0xF7A  }
0x23: {  	s9 =	sor.u32 $0xD0000000, s2;
	s6 =	simm.s32 $0x108;
	_ =	swait.ge @!p0 [sflag:s8], $0x0  }
0x24: {  	s3 =	sadd.s32 $0x88, s3;
	s6 =	simm.s32 @!p1 $0x1082;
	[sflag:s4] =	ssyncset.s32 $0xFFFFF086  }
0x25: {  	[simem:s6], [sflag:s4] =	dma.local [hbm:s3], $0xF7A  }
0x26: {  	[smem:$0x3F97] =	sst s1;
	(tag) =	ssettag s2;
	_ =	strace s9  }
0x27: {  	s1 =	sld [smem:$0x3FA7]  }
0x28: {  	s2 =	sld [smem:$0x3FA8]  }
0x29: {  	s4 =	sld [smem:$0x3FAA]  }
0x2a: {  	p0 =	seq.s32 s5, $0x0;
	s5 =	sld [smem:$0x3FAB]  }
0x2b: {  	s6 =	sld [smem:$0x3FAC]  }
0x2c: {  	s7 =	sld [smem:$0x3FAD]  }
0x2d: {  	s3 =	simm.s32 $0x108;
	s8 =	sld [smem:$0x3FAE]  }
0x2e: {  	s3 =	simm.s32 @!p0 $0x1082;
	s9 =	sld [smem:$0x3FAF]  }
0x2f: {  	lr =	sadd.s32 s0, s3;
	s0 =	sld [smem:$0x3FA6]  }
0x30: {  	s3 =	sld [smem:$0x3FA9]  }
0x31: {  	[smem:$0x3FB2] =	sst s10  }
0x32: {  	s10 =	sld [smem:$0x3FB0];
	_ =	sdelay $0x3  }
0x33: {  	p0 =	seq.s32 s10, $0x1;
	s10 =	sld [smem:$0x3FB2];
	_ =	sdelay $0x3  }
0x34: {  	[smem:$0x3FB2] =	sst s10  }
0x35: {  	s10 =	sld [smem:$0x3FB1];
	_ =	sdelay $0x3  }
0x36: {  	p1 =	seq.s32 s10, $0x1;
	s10 =	sld [smem:$0x3FB2];
	_ =	sdelay $0x3  }
0x37: {  	[smem:$0x3FB2] =	sst s10  }
0x38: {  	s10 =	sld [smem:$0x3FB3]  }
0x39: {  	_ = 	snop;
	(pc) =	sbr.ind lr, $3  }
0x3a: {  	_ = 	snop  }
0x3b: {  	_ = 	snop  }
0x3c: {  	p2 =	seq.s32 s10, $0x1;
	s10 =	sld [smem:$0x3FB2]  }
0x3d: {  	_ =	shalt  }
0x3e: {  	_ =	shalt  }
0x3f: {  	_ =	shalt  }
0x40: {  	_ =	shalt  }
0x41: {  	_ =	shalt  }
0x42: {  	_ =	shalt  }
0x43: {  	_ =	shalt  }
0x44: {  	_ =	shalt  }
0x45: {  	_ =	shalt  }
0x46: {  	_ =	shalt  }
0x47: {  	_ =	shalt  }
0x48: {  	_ =	shalt  }
0x49: {  	_ =	shalt  }
0x4a: {  	_ =	shalt  }
0x4b: {  	_ =	shalt  }
0x4c: {  	_ =	shalt  }
0x4d: {  	_ =	shalt  }
0x4e: {  	_ =	shalt  }
0x4f: {  	_ =	shalt  }
0x50: {  	_ =	shalt  }
0x51: {  	_ =	shalt  }
0x52: {  	_ =	shalt  }
0x53: {  	_ =	shalt  }
0x54: {  	_ =	shalt  }
0x55: {  	_ =	shalt  }
0x56: {  	_ =	shalt  }
0x57: {  	_ =	shalt  }
0x58: {  	_ =	shalt  }
0x59: {  	_ =	shalt  }
0x5a: {  	_ =	shalt  }
0x5b: {  	_ =	shalt  }
0x5c: {  	_ =	shalt  }
0x5d: {  	_ =	shalt  }
0x5e: {  	_ =	shalt  }
0x5f: {  	_ =	shalt  }
0x60: {  	_ =	shalt  }
0x61: {  	_ =	shalt  }
0x62: {  	_ =	shalt  }
0x63: {  	_ =	shalt  }
0x64: {  	_ =	shalt  }
0x65: {  	_ =	shalt  }
0x66: {  	_ =	shalt  }
0x67: {  	_ =	shalt  }
0x68: {  	_ =	shalt  }
0x69: {  	_ =	shalt  }
0x6a: {  	_ =	shalt  }
0x6b: {  	_ =	shalt  }
0x6c: {  	_ =	shalt  }
0x6d: {  	_ =	shalt  }
0x6e: {  	_ =	shalt  }
0x6f: {  	_ =	shalt  }
0x70: {  	_ =	shalt  }
0x71: {  	_ =	shalt  }
0x72: {  	_ =	shalt  }
0x73: {  	_ =	shalt  }
0x74: {  	_ =	shalt  }
0x75: {  	_ =	shalt  }
0x76: {  	_ =	shalt  }
0x77: {  	_ =	shalt  }
0x78: {  	_ =	shalt  }
0x79: {  	_ =	shalt  }
0x7a: {  	_ =	shalt  }
0x7b: {  	_ =	shalt  }
0x7c: {  	_ =	shalt  }
0x7d: {  	_ =	shalt  }
0x7e: {  	_ =	shalt  }
0x7f: {  	_ =	shalt  }
0x80: {  	_ =	shalt  }
0x81: {  	_ =	shalt  }
0x82: {  	_ =	shalt  }
0x83: {  	_ =	shalt  }
0x84: {  	_ =	shalt  }
0x85: {  	_ =	shalt  }
0x86: {  	_ =	shalt  }
0x87: {  	_ =	shalt  }
.Lfunc_end0:
.L_simem_size_0:
called_computation.1_lowered:
.L_overlay_start_0:
0x88: {  	s2 =	sld [smem:$0x3FD9]  }
0x89: {  	s3 =	sld [smem:$0x3FFE];
	_ =	sdelay $0x1  }
0x8a: {  	s1 =	srdreg.scid  }
0x8b: {  	s0 =	sand.u32 $0x1, s1  }
0x8c: {  	s17 =	sshll.u32 s0, $0xA;
	s2 =	sadd.s32 s3, s2  }
0x8d: {  	s2 =	sadd.s32 s2, s17  }
0x8e: {  	[smem:$0x3FBE] =	sst s2  }
0x8f: {  	_ = 	snop  }
0x90: {  	s2 =	sld [smem:$0x3FD0];
	(tm) =	ssettm $0x1  }
0x91: {  	s18 =	sld [smem:$0x3FFB];
	_ =	sdelay $0x3  }
0x92: {  	_ =	strace s18  }
0x93: {  	s3 =	sld [smem:$0x3FFC];
	_ =	sdelay $0x3  }
0x94: {  	_ =	strace s3  }
0x95: {  	s3 =	sld [smem:$0x3FFD];
	_ =	sdelay $0x3  }
0x96: {  	_ =	strace s3  }
0x97: {  	_ =	strace $0x8FFFFFFF  }
0x98: {  	s19 =	sld [smem:$0x3FDB];
	_ =	sdelay $0x1  }
0x99: {  	s4 =	simm.s32 $_scs_section_size  }
0x9a: {  	s5 =	simm.s32 $_size__tile_overlayer_lowered;
	s6 =	simm.s32 $_tile_overlayer_lowered  }
0x9b: {  	s22 =	simm.s32 $0x1BFF;
	s21 =	sshll.u32 s6, $0x1;
	s3 =	sadd.s32 s4, s19  }
0x9c: {  	s7 =	simm.s32 $0x0;
	s20 =	sshll.u32 s5, $0x1;
	s5 =	sadd.s32 s21, s3  }
0x9d: {  	[timem:s7], [sflag:s22] =	dma.local [hbm:s5], s20  }
0x9e: {  	_ =	swait.ge [sflag:s22], s20  }
0x9f: {  	s4 =	ssub.s32 $0x0, s20;
	[sflag:s22] =	ssyncset.done $0x0  }
0xa0: {  	[sflag:s22] =	ssyncadd.s32 s4;
	_ =	sdelay $0x1  }
0xa1: {  	s23 =	simm.s32 $0x1B8B  }
0xa2: {  	_ =	swait.ge [sflag:s23], $0x1  }
0xa3: {  	[sflag:s23] =	ssyncset.done $0x0  }
0xa4: {  	s25 =	simm.s32 $0x1B8E;
	s24 =	sld [smem:$0x3FFE];
	[sflag:s23] =	ssyncadd.s32 $0xFFFFFFFF  }
0xa5: {  	s26 =	simm.s32 $execute0_lowered;
	[smem:$0x3FD2] =	sst s25  }
0xa6: {  	s5 =	sshll.u32 s26, $0x1;
	_ =	strace $0x80000049;
	[dreg:$0x1] =	wrdreg $0xFFFFFFFF  }
0xa7: {  	s28 =	simm.s32 $_size_execute0_lowered;
	s3 =	sadd.s32 s3, s5;
	[dreg:$0x0] =	wrdreg $0x0  }
0xa8: {  	s5 =	sshll.u32 s28, $0x1;
	[dreg:$0x2] =	wrdreg s3  }
0xa9: {  	[dreg:$0x3] =	wrdreg s5  }
0xaa: {  	[dreg:$0x4] =	wrdreg $0xC0  }
0xab: {  	_ =	task [dreg:s7], $0x5FFFF  }
0xac: {  	[dreg:$0x1] =	wrdreg $0xFFFFFFFF  }
0xad: {  	[dreg:$0x0] =	wrdreg $0x60  }
0xae: {  	[dreg:$0x2] =	wrdreg s24  }
0xaf: {  	[dreg:$0x3] =	wrdreg s2  }
0xb0: {  	[dreg:$0x4] =	wrdreg $0x98000  }
0xb1: {  	[dreg:$0x5] =	wrdreg $0x9  }
0xb2: {  	_ =	task.clear_ibuf [dreg:s7], $0x6FFFF;
	_ =	strace $0x90000049  }
0xb3: {  	s29 =	simm.s32 $0x9;
	_ =	strace $0x8000004B  }
0xb4: {  	_ =	swait.ge [sflag:s29], $0x1  }
0xb5: {  	[sflag:s29] =	ssyncadd.s32 $0xFFFFFFFF  }
0xb6: {  	_ =	strace $0x9000004B  }
0xb7: {  	_ =	sfence  }
0xb8: {  	s30 =	sld [smem:$0x0];
	_ =	sdelay $0x2  }
0xb9: {  	s31 =	sshll.u32 s1, $0xD;
	s1 =	sshrl.u32 s1, $0x2  }
0xba: {  	s3 =	sand.u32 $0x4000, s31;
	s1 =	sadd.s32 s1, s30  }
0xbb: {  	s0 =	sor.u32 s3, s0;
	s1 =	sshll.u32 s1, $0x11  }
0xbc: {  	s0 =	sor.u32 s1, s0  }
0xbd: {  	s0 =	sadd.s32 $0x8F2B, s0  }
0xbe: {  	[sflag:s0] =	ssyncadd.remote.s32 $0x1  }
0xbf: {  	_ =	sfence.sel $0xFFFF  }
0xc0: {  	[dreg:$0x0] =	wrdreg $0xFFFFFFFF;
	(pc) =	sbr.abs _section_cstart, $3  }
0xc1: {  	[dreg:$0x1] =	wrdreg $0xFFFFFFFF  }
0xc2: {  	_ =	task.clear_ibuf [dreg:s7], $0x2FFFF;
	_ =	strace $0x9FFFFFFF  }
0xc3: {  	(tm) =	ssettm $0x7FFFFFFF  }
tec
execute0_lowered:
.L_overlay_start_1:
0x0: {  	(tag) =	ssettag $0x1  }
0x1: {  	s6 =	rddreg [dreg:$0x0]  }
0x2: {  	s8 =	rddreg [dreg:$0x1]  }
0x3: {  	s2 =	rddreg [dreg:$0x2]  }
0x4: {  	s0 =	rddreg [dreg:$0x3];
	s3 =	srdreg.scid  }
0x5: {  	s1 =	stileid.u32;
	s14 =	simm.s32 $0x80;
	s15 =	simm.s32 $0x5000  }
0x6: {  	s16 =	simm.s32 $0x1;
	s17 =	simm.s32 $0x0;
	s5 =	sand.u32 $0x1, s3  }
0x7: {  	s4 =	sshll.u32 s1, $0x1;
	s7 =	smul.u32 $0x16800, s1;
	s3 =	simm.s32 $0x0  }
0x8: {  	s31 =	sshll.u32 s1, $0x6;
	s4 =	sor.u32 s5, s4;
	s9 =	smul.u32 $0x168000, s5  }
0x9: {  	[smem:$0x7FF] =	sst s3;
	s12 =	ssub.s32 $0x2, s5;
	s5 =	sadd.s32 $0x39800, s6  }
0xa: {  	s10 =	smul.u32 $0x500, s4;
	_ =	strace $0x8000004A;
	s4 =	sadd.s32 $0xC800, s6  }
0xb: {  	s30 =	sshrl.u32 s12, $0x1;
	s13 =	sadd.s32 s7, s2;
	s9 =	sadd.s32 s7, s9  }
0xc: {  	s12 =	ssub.s32 s12, s30;
	s11 =	sadd.s32 s10, s6;
	s9 =	sshrl.u32 s9, $0x3  }
0xd: {  	s8 =	sadd.s32 s8, s10;
	s10 =	smax.u32 s12, $0x1;
	s12 =	simm.s32 $0x2  }
0xe: {  	s9 =	sadd.s32 s9, s6;
	s6 =	sor.u32 $0x1C02, s31;
	s7 =	sadd.s32 $0x2800, s11  }
0xf: {  	s11 =	sshrl.u32 s13, $0x3;
	s13 =	simm.s32 $0x2800;
	s9 =	sadd.s32 $0x3C600, s9  }
.LBB2_1:
0x10: {  	[spmem:s11], [sflag:s6] =	dma.local [hbm:s5], $0x2D00  }
0x11: {  	_ =	swait.ge [sflag:s12], $0x2D00  }
0x12: {  	[sflag:s12] =	ssyncset.done $0x0  }
0x13: {  	[sflag:s12] =	ssyncadd.s32 $0xFFFFD300  }
0x14: {  	[tilespmem:s3], [sflag:$0x2] =	stream.linear.gather [hbm4b:s7+s3], $0x2800, $0x38;
	v63 =	vld [tilespmem:$0x0]  }
0x15: {  	_ =	swait.ge [sflag:s12], $0x2800  }
0x16: {  	[sflag:s12] =	ssyncset.done $0x0  }
0x17: {  	[sflag:s12] =	ssyncadd.s32 $0xFFFFD800  }
0x18: {  	[tilespmem:s13], [sflag:$0x2] =	stream.linear.gather [hbm4b:s8+s3], $0x2800, $0x38;
	v63 =	vld [tilespmem:$0x0]  }
0x19: {  	_ =	swait.ge [sflag:s12], $0x2800  }
0x1a: {  	[sflag:s12] =	ssyncset.done $0x0  }
0x1b: {  	[sflag:s12] =	ssyncadd.s32 $0xFFFFD800  }
0x1c: {  	s18 =	simm.s32 $0x0;
	[bflag:$0x0] =	sbarrier.arrive $0xFFFF  }
0x1d: {  	[tilespmem:s15], [sflag:$0x1] =	stream.indirect.gather [hbm4b:s4+s14], $0x90, s18, s14, $0xb8;
	v63 =	vld [tilespmem:$0x0]  }
0x1e: {  	_ =	swait.ge [sflag:s16], $0x4800  }
0x1f: {  	[sflag:s16] =	ssyncset.done $0x0  }
0x20: {  	s31 =	simm.s32 $0x2800;
	[sflag:s16] =	ssyncadd.s32 $0xFFFFB800  }
0x21: {  	[spmem:s2] =	stream.indirect.scatter.add.f32 [tilespmem:s15], [sflag:$0x2], $0x90, s31, s14, $0xb8;
	v63 =	vld [tilespmem:$0x0]  }
0x22: {  	_ =	swait.ge [sflag:s12], $0x4800  }
0x23: {  	s19 =	simm.s32 $0x400;
	s18 =	simm.s32 $0x200;
	[sflag:s12] =	ssyncset.done $0x0  }
.LBB2_2:
0x24: {  	s20 =	sshra.s32 s18, $0x2  }
0x25: {  	[sflag:s12] =	ssyncadd.s32 $0xFFFFB800;
	s18 =	smov.u32 s19;
	s21 =	sadd.s32 $0x200, s19  }
0x26: {  	[tilespmem:s15], [sflag:$0x1] =	stream.indirect.gather [hbm4b:s4+s14], $0x90, s20, s14, $0xb8;
	v63 =	vld [tilespmem:$0x0]  }
0x27: {  	p0 =	sne.s32 s19, $0x9E00;
	_ =	swait.ge [sflag:s16], $0x4800  }
.Ltmp0:
0x28: {  	[sflag:s16] =	ssyncset.done $0x0;
	(pc) =	sbr.rel @p0 .LBB2_2-.Ltmp0, $4  }
0x29: {  	s19 =	sadd.s32 $0x2800, s20;
	[sflag:s16] =	ssyncadd.s32 $0xFFFFB800  }
0x2a: {  	[spmem:s2] =	stream.indirect.scatter.add.f32 [tilespmem:s15], [sflag:$0x2], $0x90, s19, s14, $0xb8;
	v63 =	vld [tilespmem:$0x0]  }
0x2b: {  	_ =	swait.ge [sflag:s12], $0x4800  }
0x2c: {  	s19 =	smov.u32 s21;
	[sflag:s12] =	ssyncset.done $0x0  }
0x2d: {  	s18 =	sshra.s32 s18, $0x2;
	[sflag:s12] =	ssyncadd.s32 $0xFFFFB800  }
0x2e: {  	[tilespmem:s15], [sflag:$0x1] =	stream.indirect.gather [hbm4b:s4+s14], $0x90, s18, s14, $0xb8;
	v63 =	vld [tilespmem:$0x0]  }
0x2f: {  	_ =	swait.ge [sflag:s16], $0x4800  }
0x30: {  	[sflag:s16] =	ssyncset.done $0x0  }
0x31: {  	s18 =	sadd.s32 $0x2800, s18;
	[sflag:s16] =	ssyncadd.s32 $0xFFFFB800  }
0x32: {  	[spmem:s2] =	stream.indirect.scatter.add.f32 [tilespmem:s15], [sflag:$0x2], $0x90, s18, s14, $0xb8;
	v63 =	vld [tilespmem:$0x0]  }
0x33: {  	_ =	swait.ge [sflag:s12], $0x4800  }
0x34: {  	s17 =	sadd.s32 $0x1, s17;
	[sflag:s12] =	ssyncset.done $0x0  }
0x35: {  	p0 =	sne.s32 s17, s10;
	[sflag:s12] =	ssyncadd.s32 $0xFFFFB800  }
.Ltmp1:
0x36: {  	[bflag:$0x0] =	sbarrier.arrive $0xFFFF;
	(pc) =	sbr.rel @p0 .LBB2_1-.Ltmp1, $4  }
0x37: {  	[hbm:s9], [sflag:s6] =	dma.local [spmem:s11], $0x2D00  }
0x38: {  	_ =	swait.ge [sflag:s12], $0x2D00  }
0x39: {  	[sflag:s12] =	ssyncset.done $0x0  }
0x3a: {  	[sflag:s12] =	ssyncadd.s32 $0xFFFFD300  }
0x3b: {  	_ =	sfence.sel $0x180000  }
0x3c: {  	[bflag:$0x0] =	sbarrier.arrive $0xFFFF  }
0x3d: {  	p0 =	sne.s32 s1, $0x0;
	_ =	strace $0x9000004A  }
0x3e: {  	s0 =	sadd.s32 @!p0 $0x100000, s0;
	[bflag:$0x2] =	sbarrier.arrive $0xFFFF  }
0x3f: {  	[sflag:s0] =	ssyncadd.tile.s32 @!p0 $0x1;
	_ =	shalt  }
.Lfunc_end2:
_tile_overlayer_lowered:
.L_overlay_start_2:
0x40: {  	(tag) =	ssettag $0x2  }
0x41: {  	s0 =	rddreg [dreg:$0x0];
	s2 =	stileid.u32  }
0x42: {  	s1 =	rddreg [dreg:$0x1];
	p0 =	sne.s32 s2, $0x0  }
0x43: {  	s3 =	rddreg [dreg:$0x2];
	[bflag:$0x3] =	sbarrier.arrive $0xFFFF;
	s2 =	simm.s32 @!p0 $0x1C02  }
0x44: {  	[timem:s3], [sflag:s2] =	dma.local @!p0 [hbm:s0], s1  }
0x45: {  	s0 =	simm.s32 @!p0 $0x2  }
0x46: {  	_ =	swait.ge @!p0 [sflag:s0], s1  }
0x47: {  	s1 =	ssub.s32 @!p0 $0x0, s1;
	[sflag:s0] =	ssyncset.done @!p0 $0x0  }
0x48: {  	[sflag:s0] =	ssyncadd.s32 @!p0 s1  }
0x49: {  	[bflag:$0x3] =	sbarrier.arrive $0xFFFF  }
0x4a: {  	_ =	shalt  }

// kernel: kernel.14.cloned.1.call-start
scs
__scs_entry_jumppad:
0x0: {  	(pc) =	sbr.rel $0x88, $3  }
0x1: {  	(tag) =	ssettag $0x0;
	lr =	simm.s32 $0x1  }
0x2: {  	[smem:$0x3F97] =	sst lr;
	_ =	strace $0xD0000000  }
0x3: {  	_ = 	snop  }
0x4: {  	_ = 	snop  }
0x5: {  	_ = 	snop  }
0x6: {  	_ = 	snop  }
0x7: {  	_ = 	snop  }
__scs_overlays_trampoline_lowered:
0x8: {  	[smem:$0x3FA6] =	sst s0  }
0x9: {  	[smem:$0x3FA7] =	sst s1  }
0xa: {  	[smem:$0x3FA8] =	sst s2  }
0xb: {  	[smem:$0x3FA9] =	sst s3  }
0xc: {  	[smem:$0x3FAA] =	sst s4  }
0xd: {  	[smem:$0x3FAB] =	sst s5  }
0xe: {  	[smem:$0x3FAC] =	sst s6  }
0xf: {  	[smem:$0x3FAD] =	sst s7  }
0x10: {  	[smem:$0x3FAE] =	sst s8  }
0x11: {  	[smem:$0x3FAF] =	sst s9;
	s0 =	simm.s32 @!p0 $0x0  }
0x12: {  	s1 =	sld [smem:$0x3F95];
	s0 =	simm.s32 @p0 $0x1  }
0x13: {  	[smem:$0x3FB0] =	sst s0;
	s0 =	simm.s32 @!p1 $0x0  }
0x14: {  	s2 =	sld [smem:$0x3F94];
	s0 =	simm.s32 @p1 $0x1  }
0x15: {  	[smem:$0x3FB1] =	sst s0;
	s0 =	simm.s32 @!p2 $0x0  }
0x16: {  	s3 =	sld [smem:$0x3FDB];
	s0 =	simm.s32 @p2 $0x1  }
0x17: {  	s4 =	simm.s32 $0x1BF5;
	[smem:$0x3FB3] =	sst s0  }
0x18: {  	s0 =	sld [smem:$0x3F96];
	_ =	swait.ge [sflag:s4], $0x0  }
0x19: {  	s7 =	sld [smem:$0x3F97]  }
0x1a: {  	s8 =	sadd.s32 $0xFFFFE003, lr  }
0x1b: {  	s9 =	sadd.s32 $0xFFFFFEF7, lr;
	s5 =	simm.s32 $0xFFFFFFFF;
	p2 =	slt.u32 s8, $0xFFFFF086  }
0x1c: {  	p1 =	slt.u32 s9, $0xF7A;
	s5 =	simm.s32 @!p2 $0x0  }
0x1d: {  	s5 =	simm.s32 @p1 $0x1;
	p0 =	seq.s32 s7, s2  }
0x1e: {  	s7 =	smul.u32 @!p0 $0xF7A, s2;
	p2 =	seq.s32 @!p0 s5, $0x0  }
0x1f: {  	s9 =	smul.u32 $0xF7A, s1;
	s8 =	simm.s32 @!p0 $0x1BF5;
	p2 =	por !p2, p0  }
0x20: {  	[sflag:s8] =	ssyncset.s32 @!p0 $0xFFFFF086;
	s6 =	sadd.s32 @!p0 s3, s7;
	s7 =	simm.s32 @!p0 $0x108  }
0x21: {  	s3 =	sadd.s32 s3, s9;
	s6 =	sadd.s32 @!p0 $0x88, s6;
	s7 =	simm.s32 @p2 $0x1082  }
0x22: {  	[simem:s7], [sflag:s8] =	dma.local @!p0 [hbm:s6], $0xF7A  }
0x23: {  	s9 =	sor.u32 $0xD0000000, s2;
	s6 =	simm.s32 $0x108;
	_ =	swait.ge @!p0 [sflag:s8], $0x0  }
0x24: {  	s3 =	sadd.s32 $0x88, s3;
	s6 =	simm.s32 @!p1 $0x1082;
	[sflag:s4] =	ssyncset.s32 $0xFFFFF086  }
0x25: {  	[simem:s6], [sflag:s4] =	dma.local [hbm:s3], $0xF7A  }
0x26: {  	[smem:$0x3F97] =	sst s1;
	(tag) =	ssettag s2;
	_ =	strace s9  }
0x27: {  	s1 =	sld [smem:$0x3FA7]  }
0x28: {  	s2 =	sld [smem:$0x3FA8]  }
0x29: {  	s4 =	sld [smem:$0x3FAA]  }
0x2a: {  	p0 =	seq.s32 s5, $0x0;
	s5 =	sld [smem:$0x3FAB]  }
0x2b: {  	s6 =	sld [smem:$0x3FAC]  }
0x2c: {  	s7 =	sld [smem:$0x3FAD]  }
0x2d: {  	s3 =	simm.s32 $0x108;
	s8 =	sld [smem:$0x3FAE]  }
0x2e: {  	s3 =	simm.s32 @!p0 $0x1082;
	s9 =	sld [smem:$0x3FAF]  }
0x2f: {  	lr =	sadd.s32 s0, s3;
	s0 =	sld [smem:$0x3FA6]  }
0x30: {  	s3 =	sld [smem:$0x3FA9]  }
0x31: {  	[smem:$0x3FB2] =	sst s10  }
0x32: {  	s10 =	sld [smem:$0x3FB0];
	_ =	sdelay $0x3  }
0x33: {  	p0 =	seq.s32 s10, $0x1;
	s10 =	sld [smem:$0x3FB2];
	_ =	sdelay $0x3  }
0x34: {  	[smem:$0x3FB2] =	sst s10  }
0x35: {  	s10 =	sld [smem:$0x3FB1];
	_ =	sdelay $0x3  }
0x36: {  	p1 =	seq.s32 s10, $0x1;
	s10 =	sld [smem:$0x3FB2];
	_ =	sdelay $0x3  }
0x37: {  	[smem:$0x3FB2] =	sst s10  }
0x38: {  	s10 =	sld [smem:$0x3FB3]  }
0x39: {  	_ = 	snop;
	(pc) =	sbr.ind lr, $3  }
0x3a: {  	_ = 	snop  }
0x3b: {  	_ = 	snop  }
0x3c: {  	p2 =	seq.s32 s10, $0x1;
	s10 =	sld [smem:$0x3FB2]  }
0x3d: {  	_ =	shalt  }
0x3e: {  	_ =	shalt  }
0x3f: {  	_ =	shalt  }
0x40: {  	_ =	shalt  }
0x41: {  	_ =	shalt  }
0x42: {  	_ =	shalt  }
0x43: {  	_ =	shalt  }
0x44: {  	_ =	shalt  }
0x45: {  	_ =	shalt  }
0x46: {  	_ =	shalt  }
0x47: {  	_ =	shalt  }
0x48: {  	_ =	shalt  }
0x49: {  	_ =	shalt  }
0x4a: {  	_ =	shalt  }
0x4b: {  	_ =	shalt  }
0x4c: {  	_ =	shalt  }
0x4d: {  	_ =	shalt  }
0x4e: {  	_ =	shalt  }
0x4f: {  	_ =	shalt  }
0x50: {  	_ =	shalt  }
0x51: {  	_ =	shalt  }
0x52: {  	_ =	shalt  }
0x53: {  	_ =	shalt  }
0x54: {  	_ =	shalt  }
0x55: {  	_ =	shalt  }
0x56: {  	_ =	shalt  }
0x57: {  	_ =	shalt  }
0x58: {  	_ =	shalt  }
0x59: {  	_ =	shalt  }
0x5a: {  	_ =	shalt  }
0x5b: {  	_ =	shalt  }
0x5c: {  	_ =	shalt  }
0x5d: {  	_ =	shalt  }
0x5e: {  	_ =	shalt  }
0x5f: {  	_ =	shalt  }
0x60: {  	_ =	shalt  }
0x61: {  	_ =	shalt  }
0x62: {  	_ =	shalt  }
0x63: {  	_ =	shalt  }
0x64: {  	_ =	shalt  }
0x65: {  	_ =	shalt  }
0x66: {  	_ =	shalt  }
0x67: {  	_ =	shalt  }
0x68: {  	_ =	shalt  }
0x69: {  	_ =	shalt  }
0x6a: {  	_ =	shalt  }
0x6b: {  	_ =	shalt  }
0x6c: {  	_ =	shalt  }
0x6d: {  	_ =	shalt  }
0x6e: {  	_ =	shalt  }
0x6f: {  	_ =	shalt  }
0x70: {  	_ =	shalt  }
0x71: {  	_ =	shalt  }
0x72: {  	_ =	shalt  }
0x73: {  	_ =	shalt  }
0x74: {  	_ =	shalt  }
0x75: {  	_ =	shalt  }
0x76: {  	_ =	shalt  }
0x77: {  	_ =	shalt  }
0x78: {  	_ =	shalt  }
0x79: {  	_ =	shalt  }
0x7a: {  	_ =	shalt  }
0x7b: {  	_ =	shalt  }
0x7c: {  	_ =	shalt  }
0x7d: {  	_ =	shalt  }
0x7e: {  	_ =	shalt  }
0x7f: {  	_ =	shalt  }
0x80: {  	_ =	shalt  }
0x81: {  	_ =	shalt  }
0x82: {  	_ =	shalt  }
0x83: {  	_ =	shalt  }
0x84: {  	_ =	shalt  }
0x85: {  	_ =	shalt  }
0x86: {  	_ =	shalt  }
0x87: {  	_ =	shalt  }
.Lfunc_end0:
.L_simem_size_0:
called_computation.2_lowered:
.L_overlay_start_0:
0x88: {  	s2 =	sld [smem:$0x3FD9]  }
0x89: {  	s3 =	sld [smem:$0x3FFE];
	_ =	sdelay $0x1  }
0x8a: {  	s1 =	srdreg.scid  }
0x8b: {  	s0 =	sand.u32 $0x1, s1  }
0x8c: {  	s17 =	sshll.u32 s0, $0xA;
	s2 =	sadd.s32 s3, s2  }
0x8d: {  	s2 =	sadd.s32 s2, s17  }
0x8e: {  	[smem:$0x3FBE] =	sst s2  }
0x8f: {  	_ = 	snop  }
0x90: {  	s2 =	sld [smem:$0x3FD0];
	(tm) =	ssettm $0x1  }
0x91: {  	s18 =	sld [smem:$0x3FFB];
	_ =	sdelay $0x3  }
0x92: {  	_ =	strace s18  }
0x93: {  	s3 =	sld [smem:$0x3FFC];
	_ =	sdelay $0x3  }
0x94: {  	_ =	strace s3  }
0x95: {  	s3 =	sld [smem:$0x3FFD];
	_ =	sdelay $0x3  }
0x96: {  	_ =	strace s3  }
0x97: {  	_ =	strace $0x8FFFFFFF  }
0x98: {  	s19 =	sld [smem:$0x3FDB];
	_ =	sdelay $0x1  }
0x99: {  	s4 =	simm.s32 $_scs_section_size  }
0x9a: {  	s5 =	simm.s32 $_size__tile_overlayer_lowered;
	s6 =	simm.s32 $_tile_overlayer_lowered  }
0x9b: {  	s22 =	simm.s32 $0x1BFF;
	s21 =	sshll.u32 s6, $0x1;
	s3 =	sadd.s32 s4, s19  }
0x9c: {  	s7 =	simm.s32 $0x0;
	s20 =	sshll.u32 s5, $0x1;
	s5 =	sadd.s32 s21, s3  }
0x9d: {  	[timem:s7], [sflag:s22] =	dma.local [hbm:s5], s20  }
0x9e: {  	_ =	swait.ge [sflag:s22], s20  }
0x9f: {  	s4 =	ssub.s32 $0x0, s20;
	[sflag:s22] =	ssyncset.done $0x0  }
0xa0: {  	[sflag:s22] =	ssyncadd.s32 s4;
	_ =	sdelay $0x1  }
0xa1: {  	s23 =	simm.s32 $0x1B8B  }
0xa2: {  	_ =	swait.ge [sflag:s23], $0x1  }
0xa3: {  	[sflag:s23] =	ssyncset.done $0x0  }
0xa4: {  	s25 =	simm.s32 $0x1B8E;
	s24 =	sld [smem:$0x3FFE];
	[sflag:s23] =	ssyncadd.s32 $0xFFFFFFFF  }
0xa5: {  	s26 =	simm.s32 $execute0_lowered;
	[smem:$0x3FD2] =	sst s25  }
0xa6: {  	s5 =	sshll.u32 s26, $0x1;
	_ =	strace $0x8000004C;
	[dreg:$0x1] =	wrdreg $0xFFFFFFFF  }
0xa7: {  	s28 =	simm.s32 $_size_execute0_lowered;
	s3 =	sadd.s32 s3, s5;
	[dreg:$0x0] =	wrdreg $0x0  }
0xa8: {  	s5 =	sshll.u32 s28, $0x1;
	[dreg:$0x2] =	wrdreg s3  }
0xa9: {  	[dreg:$0x3] =	wrdreg s5  }
0xaa: {  	[dreg:$0x4] =	wrdreg $0xC0  }
0xab: {  	_ =	task [dreg:s7], $0x5FFFF  }
0xac: {  	[dreg:$0x1] =	wrdreg $0xFFFFFFFF  }
0xad: {  	[dreg:$0x0] =	wrdreg $0x60  }
0xae: {  	[dreg:$0x2] =	wrdreg s24  }
0xaf: {  	[dreg:$0x3] =	wrdreg s2  }
0xb0: {  	[dreg:$0x4] =	wrdreg $0x98000  }
0xb1: {  	[dreg:$0x5] =	wrdreg $0x9  }
0xb2: {  	_ =	task.clear_ibuf [dreg:s7], $0x6FFFF;
	_ =	strace $0x9000004C  }
0xb3: {  	s29 =	simm.s32 $0x9;
	_ =	strace $0x8000004E  }
0xb4: {  	_ =	swait.ge [sflag:s29], $0x1  }
0xb5: {  	[sflag:s29] =	ssyncadd.s32 $0xFFFFFFFF  }
0xb6: {  	_ =	strace $0x9000004E  }
0xb7: {  	_ =	sfence  }
0xb8: {  	s30 =	sld [smem:$0x0];
	_ =	sdelay $0x2  }
0xb9: {  	s31 =	sshll.u32 s1, $0xD;
	s1 =	sshrl.u32 s1, $0x2  }
0xba: {  	s3 =	sand.u32 $0x4000, s31;
	s1 =	sadd.s32 s1, s30  }
0xbb: {  	s0 =	sor.u32 s3, s0;
	s1 =	sshll.u32 s1, $0x11  }
0xbc: {  	s0 =	sor.u32 s1, s0  }
0xbd: {  	s0 =	sadd.s32 $0x8F2B, s0  }
0xbe: {  	[sflag:s0] =	ssyncadd.remote.s32 $0x1  }
0xbf: {  	_ =	sfence.sel $0xFFFF  }
0xc0: {  	[dreg:$0x0] =	wrdreg $0xFFFFFFFF;
	(pc) =	sbr.abs _section_cstart, $3  }
0xc1: {  	[dreg:$0x1] =	wrdreg $0xFFFFFFFF  }
0xc2: {  	_ =	task.clear_ibuf [dreg:s7], $0x2FFFF;
	_ =	strace $0x9FFFFFFF  }
0xc3: {  	(tm) =	ssettm $0x7FFFFFFF  }
tec
execute0_lowered:
.L_overlay_start_1:
0x0: {  	(tag) =	ssettag $0x1  }
0x1: {  	s6 =	rddreg [dreg:$0x0]  }
0x2: {  	s8 =	rddreg [dreg:$0x1]  }
0x3: {  	s2 =	rddreg [dreg:$0x2]  }
0x4: {  	s0 =	rddreg [dreg:$0x3];
	s3 =	srdreg.scid  }
0x5: {  	s1 =	stileid.u32;
	s14 =	simm.s32 $0x80;
	s15 =	simm.s32 $0x5000  }
0x6: {  	s16 =	simm.s32 $0x1;
	s17 =	simm.s32 $0x0;
	s5 =	sand.u32 $0x1, s3  }
0x7: {  	s4 =	sshll.u32 s1, $0x1;
	s7 =	smul.u32 $0x16800, s1;
	s3 =	simm.s32 $0x0  }
0x8: {  	s31 =	sshll.u32 s1, $0x6;
	s4 =	sor.u32 s5, s4;
	s9 =	smul.u32 $0x168000, s5  }
0x9: {  	[smem:$0x7FF] =	sst s3;
	s12 =	ssub.s32 $0x2, s5;
	s5 =	sadd.s32 $0x39800, s6  }
0xa: {  	s10 =	smul.u32 $0x500, s4;
	_ =	strace $0x8000004D;
	s4 =	sadd.s32 $0xC800, s6  }
0xb: {  	s30 =	sshrl.u32 s12, $0x1;
	s13 =	sadd.s32 s7, s2;
	s9 =	sadd.s32 s7, s9  }
0xc: {  	s12 =	ssub.s32 s12, s30;
	s11 =	sadd.s32 s10, s6;
	s9 =	sshrl.u32 s9, $0x3  }
0xd: {  	s8 =	sadd.s32 s8, s10;
	s10 =	smax.u32 s12, $0x1;
	s12 =	simm.s32 $0x2  }
0xe: {  	s9 =	sadd.s32 s9, s6;
	s6 =	sor.u32 $0x1C02, s31;
	s7 =	sadd.s32 $0x2800, s11  }
0xf: {  	s11 =	sshrl.u32 s13, $0x3;
	s13 =	simm.s32 $0x2800;
	s9 =	sadd.s32 $0x3C600, s9  }
.LBB2_1:
0x10: {  	[spmem:s11], [sflag:s6] =	dma.local [hbm:s5], $0x2D00  }
0x11: {  	_ =	swait.ge [sflag:s12], $0x2D00  }
0x12: {  	[sflag:s12] =	ssyncset.done $0x0  }
0x13: {  	[sflag:s12] =	ssyncadd.s32 $0xFFFFD300  }
0x14: {  	[tilespmem:s3], [sflag:$0x2] =	stream.linear.gather [hbm4b:s7+s3], $0x2800, $0x38;
	v63 =	vld [tilespmem:$0x0]  }
0x15: {  	_ =	swait.ge [sflag:s12], $0x2800  }
0x16: {  	[sflag:s12] =	ssyncset.done $0x0  }
0x17: {  	[sflag:s12] =	ssyncadd.s32 $0xFFFFD800  }
0x18: {  	[tilespmem:s13], [sflag:$0x2] =	stream.linear.gather [hbm4b:s8+s3], $0x2800, $0x38;
	v63 =	vld [tilespmem:$0x0]  }
0x19: {  	_ =	swait.ge [sflag:s12], $0x2800  }
0x1a: {  	[sflag:s12] =	ssyncset.done $0x0  }
0x1b: {  	[sflag:s12] =	ssyncadd.s32 $0xFFFFD800  }
0x1c: {  	s18 =	simm.s32 $0x0;
	[bflag:$0x0] =	sbarrier.arrive $0xFFFF  }
0x1d: {  	[tilespmem:s15], [sflag:$0x1] =	stream.indirect.gather [hbm4b:s4+s14], $0x90, s18, s14, $0xb8;
	v63 =	vld [tilespmem:$0x0]  }
0x1e: {  	_ =	swait.ge [sflag:s16], $0x4800  }
0x1f: {  	[sflag:s16] =	ssyncset.done $0x0  }
0x20: {  	s31 =	simm.s32 $0x2800;
	[sflag:s16] =	ssyncadd.s32 $0xFFFFB800  }
0x21: {  	[spmem:s2] =	stream.indirect.scatter.add.f32 [tilespmem:s15], [sflag:$0x2], $0x90, s31, s14, $0xb8;
	v63 =	vld [tilespmem:$0x0]  }
0x22: {  	_ =	swait.ge [sflag:s12], $0x4800  }
0x23: {  	s19 =	simm.s32 $0x400;
	s18 =	simm.s32 $0x200;
	[sflag:s12] =	ssyncset.done $0x0  }
.LBB2_2:
0x24: {  	s20 =	sshra.s32 s18, $0x2  }
0x25: {  	[sflag:s12] =	ssyncadd.s32 $0xFFFFB800;
	s18 =	smov.u32 s19;
	s21 =	sadd.s32 $0x200, s19  }
0x26: {  	[tilespmem:s15], [sflag:$0x1] =	stream.indirect.gather [hbm4b:s4+s14], $0x90, s20, s14, $0xb8;
	v63 =	vld [tilespmem:$0x0]  }
0x27: {  	p0 =	sne.s32 s19, $0x9E00;
	_ =	swait.ge [sflag:s16], $0x4800  }
.Ltmp0:
0x28: {  	[sflag:s16] =	ssyncset.done $0x0;
	(pc) =	sbr.rel @p0 .LBB2_2-.Ltmp0, $4  }
0x29: {  	s19 =	sadd.s32 $0x2800, s20;
	[sflag:s16] =	ssyncadd.s32 $0xFFFFB800  }
0x2a: {  	[spmem:s2] =	stream.indirect.scatter.add.f32 [tilespmem:s15], [sflag:$0x2], $0x90, s19, s14, $0xb8;
	v63 =	vld [tilespmem:$0x0]  }
0x2b: {  	_ =	swait.ge [sflag:s12], $0x4800  }
0x2c: {  	s19 =	smov.u32 s21;
	[sflag:s12] =	ssyncset.done $0x0  }
0x2d: {  	s18 =	sshra.s32 s18, $0x2;
	[sflag:s12] =	ssyncadd.s32 $0xFFFFB800  }
0x2e: {  	[tilespmem:s15], [sflag:$0x1] =	stream.indirect.gather [hbm4b:s4+s14], $0x90, s18, s14, $0xb8;
	v63 =	vld [tilespmem:$0x0]  }
0x2f: {  	_ =	swait.ge [sflag:s16], $0x4800  }
0x30: {  	[sflag:s16] =	ssyncset.done $0x0  }
0x31: {  	s18 =	sadd.s32 $0x2800, s18;
	[sflag:s16] =	ssyncadd.s32 $0xFFFFB800  }
0x32: {  	[spmem:s2] =	stream.indirect.scatter.add.f32 [tilespmem:s15], [sflag:$0x2], $0x90, s18, s14, $0xb8;
	v63 =	vld [tilespmem:$0x0]  }
0x33: {  	_ =	swait.ge [sflag:s12], $0x4800  }
0x34: {  	s17 =	sadd.s32 $0x1, s17;
	[sflag:s12] =	ssyncset.done $0x0  }
0x35: {  	p0 =	sne.s32 s17, s10;
	[sflag:s12] =	ssyncadd.s32 $0xFFFFB800  }
.Ltmp1:
0x36: {  	[bflag:$0x0] =	sbarrier.arrive $0xFFFF;
	(pc) =	sbr.rel @p0 .LBB2_1-.Ltmp1, $4  }
0x37: {  	[hbm:s9], [sflag:s6] =	dma.local [spmem:s11], $0x2D00  }
0x38: {  	_ =	swait.ge [sflag:s12], $0x2D00  }
0x39: {  	[sflag:s12] =	ssyncset.done $0x0  }
0x3a: {  	[sflag:s12] =	ssyncadd.s32 $0xFFFFD300  }
0x3b: {  	_ =	sfence.sel $0x180000  }
0x3c: {  	[bflag:$0x0] =	sbarrier.arrive $0xFFFF  }
0x3d: {  	p0 =	sne.s32 s1, $0x0;
	_ =	strace $0x9000004D  }
0x3e: {  	s0 =	sadd.s32 @!p0 $0x100000, s0;
	[bflag:$0x2] =	sbarrier.arrive $0xFFFF  }
0x3f: {  	[sflag:s0] =	ssyncadd.tile.s32 @!p0 $0x1;
	_ =	shalt  }
.Lfunc_end2:
_tile_overlayer_lowered:
.L_overlay_start_2:
0x40: {  	(tag) =	ssettag $0x2  }
0x41: {  	s0 =	rddreg [dreg:$0x0];
	s2 =	stileid.u32  }
0x42: {  	s1 =	rddreg [dreg:$0x1];
	p0 =	sne.s32 s2, $0x0  }
0x43: {  	s3 =	rddreg [dreg:$0x2];
	[bflag:$0x3] =	sbarrier.arrive $0xFFFF;
	s2 =	simm.s32 @!p0 $0x1C02  }
0x44: {  	[timem:s3], [sflag:s2] =	dma.local @!p0 [hbm:s0], s1  }
0x45: {  	s0 =	simm.s32 @!p0 $0x2  }
0x46: {  	_ =	swait.ge @!p0 [sflag:s0], s1  }
0x47: {  	s1 =	ssub.s32 @!p0 $0x0, s1;
	[sflag:s0] =	ssyncset.done @!p0 $0x0  }
0x48: {  	[sflag:s0] =	ssyncadd.s32 @!p0 s1  }
0x49: {  	[bflag:$0x3] =	sbarrier.arrive $0xFFFF  }
0x4a: {  	_ =	shalt  }

// kernel: kernel.8.cloned.1.call-start
scs
__scs_entry_jumppad:
0x0: {  	(pc) =	sbr.rel $0x88, $3  }
0x1: {  	(tag) =	ssettag $0x0;
	lr =	simm.s32 $0x1  }
0x2: {  	[smem:$0x3F97] =	sst lr;
	_ =	strace $0xD0000000  }
0x3: {  	_ = 	snop  }
0x4: {  	_ = 	snop  }
0x5: {  	_ = 	snop  }
0x6: {  	_ = 	snop  }
0x7: {  	_ = 	snop  }
__scs_overlays_trampoline_lowered:
0x8: {  	[smem:$0x3FA6] =	sst s0  }
0x9: {  	[smem:$0x3FA7] =	sst s1  }
0xa: {  	[smem:$0x3FA8] =	sst s2  }
0xb: {  	[smem:$0x3FA9] =	sst s3  }
0xc: {  	[smem:$0x3FAA] =	sst s4  }
0xd: {  	[smem:$0x3FAB] =	sst s5  }
0xe: {  	[smem:$0x3FAC] =	sst s6  }
0xf: {  	[smem:$0x3FAD] =	sst s7  }
0x10: {  	[smem:$0x3FAE] =	sst s8  }
0x11: {  	[smem:$0x3FAF] =	sst s9;
	s0 =	simm.s32 @!p0 $0x0  }
0x12: {  	s1 =	sld [smem:$0x3F95];
	s0 =	simm.s32 @p0 $0x1  }
0x13: {  	[smem:$0x3FB0] =	sst s0;
	s0 =	simm.s32 @!p1 $0x0  }
0x14: {  	s2 =	sld [smem:$0x3F94];
	s0 =	simm.s32 @p1 $0x1  }
0x15: {  	[smem:$0x3FB1] =	sst s0;
	s0 =	simm.s32 @!p2 $0x0  }
0x16: {  	s3 =	sld [smem:$0x3FDB];
	s0 =	simm.s32 @p2 $0x1  }
0x17: {  	s4 =	simm.s32 $0x1BF5;
	[smem:$0x3FB3] =	sst s0  }
0x18: {  	s0 =	sld [smem:$0x3F96];
	_ =	swait.ge [sflag:s4], $0x0  }
0x19: {  	s7 =	sld [smem:$0x3F97]  }
0x1a: {  	s8 =	sadd.s32 $0xFFFFE003, lr  }
0x1b: {  	s9 =	sadd.s32 $0xFFFFFEF7, lr;
	s5 =	simm.s32 $0xFFFFFFFF;
	p2 =	slt.u32 s8, $0xFFFFF086  }
0x1c: {  	p1 =	slt.u32 s9, $0xF7A;
	s5 =	simm.s32 @!p2 $0x0  }
0x1d: {  	s5 =	simm.s32 @p1 $0x1;
	p0 =	seq.s32 s7, s2  }
0x1e: {  	s7 =	smul.u32 @!p0 $0xF7A, s2;
	p2 =	seq.s32 @!p0 s5, $0x0  }
0x1f: {  	s9 =	smul.u32 $0xF7A, s1;
	s8 =	simm.s32 @!p0 $0x1BF5;
	p2 =	por !p2, p0  }
0x20: {  	[sflag:s8] =	ssyncset.s32 @!p0 $0xFFFFF086;
	s6 =	sadd.s32 @!p0 s3, s7;
	s7 =	simm.s32 @!p0 $0x108  }
0x21: {  	s3 =	sadd.s32 s3, s9;
	s6 =	sadd.s32 @!p0 $0x88, s6;
	s7 =	simm.s32 @p2 $0x1082  }
0x22: {  	[simem:s7], [sflag:s8] =	dma.local @!p0 [hbm:s6], $0xF7A  }
0x23: {  	s9 =	sor.u32 $0xD0000000, s2;
	s6 =	simm.s32 $0x108;
	_ =	swait.ge @!p0 [sflag:s8], $0x0  }
0x24: {  	s3 =	sadd.s32 $0x88, s3;
	s6 =	simm.s32 @!p1 $0x1082;
	[sflag:s4] =	ssyncset.s32 $0xFFFFF086  }
0x25: {  	[simem:s6], [sflag:s4] =	dma.local [hbm:s3], $0xF7A  }
0x26: {  	[smem:$0x3F97] =	sst s1;
	(tag) =	ssettag s2;
	_ =	strace s9  }
0x27: {  	s1 =	sld [smem:$0x3FA7]  }
0x28: {  	s2 =	sld [smem:$0x3FA8]  }
0x29: {  	s4 =	sld [smem:$0x3FAA]  }
0x2a: {  	p0 =	seq.s32 s5, $0x0;
	s5 =	sld [smem:$0x3FAB]  }
0x2b: {  	s6 =	sld [smem:$0x3FAC]  }
0x2c: {  	s7 =	sld [smem:$0x3FAD]  }
0x2d: {  	s3 =	simm.s32 $0x108;
	s8 =	sld [smem:$0x3FAE]  }
0x2e: {  	s3 =	simm.s32 @!p0 $0x1082;
	s9 =	sld [smem:$0x3FAF]  }
0x2f: {  	lr =	sadd.s32 s0, s3;
	s0 =	sld [smem:$0x3FA6]  }
0x30: {  	s3 =	sld [smem:$0x3FA9]  }
0x31: {  	[smem:$0x3FB2] =	sst s10  }
0x32: {  	s10 =	sld [smem:$0x3FB0];
	_ =	sdelay $0x3  }
0x33: {  	p0 =	seq.s32 s10, $0x1;
	s10 =	sld [smem:$0x3FB2];
	_ =	sdelay $0x3  }
0x34: {  	[smem:$0x3FB2] =	sst s10  }
0x35: {  	s10 =	sld [smem:$0x3FB1];
	_ =	sdelay $0x3  }
0x36: {  	p1 =	seq.s32 s10, $0x1;
	s10 =	sld [smem:$0x3FB2];
	_ =	sdelay $0x3  }
0x37: {  	[smem:$0x3FB2] =	sst s10  }
0x38: {  	s10 =	sld [smem:$0x3FB3]  }
0x39: {  	_ = 	snop;
	(pc) =	sbr.ind lr, $3  }
0x3a: {  	_ = 	snop  }
0x3b: {  	_ = 	snop  }
0x3c: {  	p2 =	seq.s32 s10, $0x1;
	s10 =	sld [smem:$0x3FB2]  }
0x3d: {  	_ =	shalt  }
0x3e: {  	_ =	shalt  }
0x3f: {  	_ =	shalt  }
0x40: {  	_ =	shalt  }
0x41: {  	_ =	shalt  }
0x42: {  	_ =	shalt  }
0x43: {  	_ =	shalt  }
0x44: {  	_ =	shalt  }
0x45: {  	_ =	shalt  }
0x46: {  	_ =	shalt  }
0x47: {  	_ =	shalt  }
0x48: {  	_ =	shalt  }
0x49: {  	_ =	shalt  }
0x4a: {  	_ =	shalt  }
0x4b: {  	_ =	shalt  }
0x4c: {  	_ =	shalt  }
0x4d: {  	_ =	shalt  }
0x4e: {  	_ =	shalt  }
0x4f: {  	_ =	shalt  }
0x50: {  	_ =	shalt  }
0x51: {  	_ =	shalt  }
0x52: {  	_ =	shalt  }
0x53: {  	_ =	shalt  }
0x54: {  	_ =	shalt  }
0x55: {  	_ =	shalt  }
0x56: {  	_ =	shalt  }
0x57: {  	_ =	shalt  }
0x58: {  	_ =	shalt  }
0x59: {  	_ =	shalt  }
0x5a: {  	_ =	shalt  }
0x5b: {  	_ =	shalt  }
0x5c: {  	_ =	shalt  }
0x5d: {  	_ =	shalt  }
0x5e: {  	_ =	shalt  }
0x5f: {  	_ =	shalt  }
0x60: {  	_ =	shalt  }
0x61: {  	_ =	shalt  }
0x62: {  	_ =	shalt  }
0x63: {  	_ =	shalt  }
0x64: {  	_ =	shalt  }
0x65: {  	_ =	shalt  }
0x66: {  	_ =	shalt  }
0x67: {  	_ =	shalt  }
0x68: {  	_ =	shalt  }
0x69: {  	_ =	shalt  }
0x6a: {  	_ =	shalt  }
0x6b: {  	_ =	shalt  }
0x6c: {  	_ =	shalt  }
0x6d: {  	_ =	shalt  }
0x6e: {  	_ =	shalt  }
0x6f: {  	_ =	shalt  }
0x70: {  	_ =	shalt  }
0x71: {  	_ =	shalt  }
0x72: {  	_ =	shalt  }
0x73: {  	_ =	shalt  }
0x74: {  	_ =	shalt  }
0x75: {  	_ =	shalt  }
0x76: {  	_ =	shalt  }
0x77: {  	_ =	shalt  }
0x78: {  	_ =	shalt  }
0x79: {  	_ =	shalt  }
0x7a: {  	_ =	shalt  }
0x7b: {  	_ =	shalt  }
0x7c: {  	_ =	shalt  }
0x7d: {  	_ =	shalt  }
0x7e: {  	_ =	shalt  }
0x7f: {  	_ =	shalt  }
0x80: {  	_ =	shalt  }
0x81: {  	_ =	shalt  }
0x82: {  	_ =	shalt  }
0x83: {  	_ =	shalt  }
0x84: {  	_ =	shalt  }
0x85: {  	_ =	shalt  }
0x86: {  	_ =	shalt  }
0x87: {  	_ =	shalt  }
.Lfunc_end0:
.L_simem_size_0:
called_computation_lowered:
.L_overlay_start_0:
0x88: {  	s2 =	sld [smem:$0x3FD9]  }
0x89: {  	s3 =	sld [smem:$0x3FFE];
	_ =	sdelay $0x1  }
0x8a: {  	s1 =	srdreg.scid  }
0x8b: {  	s0 =	sand.u32 $0x1, s1  }
0x8c: {  	s17 =	sshll.u32 s0, $0xA;
	s2 =	sadd.s32 s3, s2  }
0x8d: {  	s2 =	sadd.s32 s2, s17  }
0x8e: {  	[smem:$0x3FBE] =	sst s2  }
0x8f: {  	_ = 	snop  }
0x90: {  	s2 =	sld [smem:$0x3FD0];
	(tm) =	ssettm $0x1  }
0x91: {  	s18 =	sld [smem:$0x3FFB];
	_ =	sdelay $0x3  }
0x92: {  	_ =	strace s18  }
0x93: {  	s3 =	sld [smem:$0x3FFC];
	_ =	sdelay $0x3  }
0x94: {  	_ =	strace s3  }
0x95: {  	s3 =	sld [smem:$0x3FFD];
	_ =	sdelay $0x3  }
0x96: {  	_ =	strace s3  }
0x97: {  	_ =	strace $0x8FFFFFFF  }
0x98: {  	s19 =	sld [smem:$0x3FDB];
	_ =	sdelay $0x1  }
0x99: {  	s4 =	simm.s32 $_scs_section_size  }
0x9a: {  	s5 =	simm.s32 $_size__tile_overlayer_lowered;
	s6 =	simm.s32 $_tile_overlayer_lowered  }
0x9b: {  	s22 =	simm.s32 $0x1BFF;
	s21 =	sshll.u32 s6, $0x1;
	s3 =	sadd.s32 s4, s19  }
0x9c: {  	s7 =	simm.s32 $0x0;
	s20 =	sshll.u32 s5, $0x1;
	s5 =	sadd.s32 s21, s3  }
0x9d: {  	[timem:s7], [sflag:s22] =	dma.local [hbm:s5], s20  }
0x9e: {  	_ =	swait.ge [sflag:s22], s20  }
0x9f: {  	s4 =	ssub.s32 $0x0, s20;
	[sflag:s22] =	ssyncset.done $0x0  }
0xa0: {  	[sflag:s22] =	ssyncadd.s32 s4;
	_ =	sdelay $0x1  }
0xa1: {  	s23 =	simm.s32 $0x1B8B  }
0xa2: {  	_ =	swait.ge [sflag:s23], $0x1  }
0xa3: {  	[sflag:s23] =	ssyncset.done $0x0  }
0xa4: {  	s25 =	simm.s32 $0x1B8E;
	s24 =	sld [smem:$0x3FFE];
	[sflag:s23] =	ssyncadd.s32 $0xFFFFFFFF  }
0xa5: {  	s26 =	simm.s32 $execute0_lowered;
	[smem:$0x3FD2] =	sst s25  }
0xa6: {  	s5 =	sshll.u32 s26, $0x1;
	_ =	strace $0x80000046;
	[dreg:$0x1] =	wrdreg $0xFFFFFFFF  }
0xa7: {  	s28 =	simm.s32 $_size_execute0_lowered;
	s3 =	sadd.s32 s3, s5;
	[dreg:$0x0] =	wrdreg $0x0  }
0xa8: {  	s5 =	sshll.u32 s28, $0x1;
	[dreg:$0x2] =	wrdreg s3  }
0xa9: {  	[dreg:$0x3] =	wrdreg s5  }
0xaa: {  	[dreg:$0x4] =	wrdreg $0xC0  }
0xab: {  	_ =	task [dreg:s7], $0x5FFFF  }
0xac: {  	[dreg:$0x1] =	wrdreg $0xFFFFFFFF  }
0xad: {  	[dreg:$0x0] =	wrdreg $0x60  }
0xae: {  	[dreg:$0x2] =	wrdreg s24  }
0xaf: {  	[dreg:$0x3] =	wrdreg s2  }
0xb0: {  	[dreg:$0x4] =	wrdreg $0x50800  }
0xb1: {  	[dreg:$0x5] =	wrdreg $0x53000  }
0xb2: {  	[dreg:$0x6] =	wrdreg $0x9  }
0xb3: {  	_ =	task.clear_ibuf [dreg:s7], $0x7FFFF;
	_ =	strace $0x90000046  }
0xb4: {  	s29 =	simm.s32 $0x9;
	_ =	strace $0x80000048  }
0xb5: {  	_ =	swait.ge [sflag:s29], $0x1  }
0xb6: {  	[sflag:s29] =	ssyncadd.s32 $0xFFFFFFFF  }
0xb7: {  	_ =	strace $0x90000048  }
0xb8: {  	_ =	sfence  }
0xb9: {  	s30 =	sld [smem:$0x0];
	_ =	sdelay $0x2  }
0xba: {  	s31 =	sshll.u32 s1, $0xD;
	s1 =	sshrl.u32 s1, $0x2  }
0xbb: {  	s3 =	sand.u32 $0x4000, s31;
	s1 =	sadd.s32 s1, s30  }
0xbc: {  	s0 =	sor.u32 s3, s0;
	s1 =	sshll.u32 s1, $0x11  }
0xbd: {  	s0 =	sor.u32 s1, s0  }
0xbe: {  	s0 =	sadd.s32 $0x8F2B, s0  }
0xbf: {  	[sflag:s0] =	ssyncadd.remote.s32 $0x1  }
0xc0: {  	_ =	sfence.sel $0xFFFF  }
0xc1: {  	[dreg:$0x0] =	wrdreg $0xFFFFFFFF;
	(pc) =	sbr.abs _section_cstart, $3  }
0xc2: {  	[dreg:$0x1] =	wrdreg $0xFFFFFFFF  }
0xc3: {  	_ =	task.clear_ibuf [dreg:s7], $0x2FFFF;
	_ =	strace $0x9FFFFFFF  }
0xc4: {  	(tm) =	ssettm $0x7FFFFFFF  }
0xc5: {  	_ =	shalt  }
tec
execute0_lowered:
.L_overlay_start_1:
0x0: {  	(tag) =	ssettag $0x1  }
0x1: {  	s6 =	rddreg [dreg:$0x0]  }
0x2: {  	s8 =	rddreg [dreg:$0x1]  }
0x3: {  	s1 =	srdreg.scid;
	s2 =	rddreg [dreg:$0x2]  }
0x4: {  	s0 =	stileid.u32;
	s3 =	rddreg [dreg:$0x3];
	s4 =	simm.s32 $0x0  }
0x5: {  	s17 =	simm.s32 $0x5000;
	s18 =	simm.s32 $0x20;
	s19 =	simm.s32 $0x10  }
0x6: {  	s20 =	simm.s32 $0x0;
	s7 =	sand.u32 $0x1, s1;
	s11 =	smul.u32 $0x500, s0  }
0x7: {  	s29 =	sshll.u32 s0, $0x1;
	[smem:$0x7FF] =	sst s4;
	s30 =	smul.u32 $0x280, s0  }
0x8: {  	s5 =	sadd.s32 $0xC800, s6;
	s1 =	sor.u32 s7, s29;
	s10 =	smul.u32 $0x5000, s7  }
0x9: {  	s13 =	sshll.u32 s0, $0x6;
	s7 =	ssub.s32 $0x2, s7;
	s9 =	smul.u32 $0x500, s1  }
0xa: {  	s1 =	rddreg [dreg:$0x4];
	_ =	strace $0x80000047;
	s31 =	sshrl.u32 s7, $0x1  }
0xb: {  	s15 =	sadd.s32 s30, s2;
	s16 =	sadd.s32 s30, s3;
	s10 =	sadd.s32 s11, s10  }
0xc: {  	s14 =	ssub.s32 s7, s31;
	s12 =	sadd.s32 s9, s6;
	s10 =	sshrl.u32 s10, $0x3  }
0xd: {  	s8 =	sadd.s32 s8, s9;
	s11 =	smax.u32 s14, $0x1;
	s14 =	sshrl.u32 s16, $0x3  }
0xe: {  	s16 =	simm.s32 $0x80;
	s10 =	sadd.s32 s10, s6;
	s6 =	sor.u32 $0x1C01, s13  }
0xf: {  	s7 =	sadd.s32 $0x2800, s12;
	s12 =	sshrl.u32 s15, $0x3;
	s13 =	simm.s32 $0x1  }
0x10: {  	v0 =	vimm.f32 $1.000000000e+00;
	s15 =	simm.s32 $0x2800;
	s9 =	sadd.s32 $0xCA00, s10;
	s10 =	sadd.s32 $0xCA10, s10  }
.LBB2_1:
0x11: {  	[spmem:s12], [sflag:s6] =	dma.local [hbm:s5], $0x50  }
0x12: {  	_ =	swait.ge [sflag:s13], $0x50  }
0x13: {  	[sflag:s13] =	ssyncset.done $0x0  }
0x14: {  	[sflag:s13] =	ssyncadd.s32 $0xFFFFFFB0  }
0x15: {  	[spmem:s14], [sflag:s6] =	dma.local [hbm:s5], $0x50  }
0x16: {  	_ =	swait.ge [sflag:s13], $0x50  }
0x17: {  	[sflag:s13] =	ssyncset.done $0x0  }
0x18: {  	[sflag:s13] =	ssyncadd.s32 $0xFFFFFFB0  }
0x19: {  	[tilespmem:$0x5000] =	vst v0  }
0x1a: {  	[tilespmem:$0x5010] =	vst v0  }
0x1b: {  	[tilespmem:$0x5020] =	vst v0  }
0x1c: {  	[tilespmem:$0x5030] =	vst v0  }
0x1d: {  	[tilespmem:$0x5040] =	vst v0  }
0x1e: {  	[tilespmem:$0x5050] =	vst v0  }
0x1f: {  	[tilespmem:$0x5060] =	vst v0  }
0x20: {  	[tilespmem:$0x5070] =	vst v0  }
0x21: {  	[tilespmem:s4], [sflag:$0x1] =	stream.linear.gather [hbm4b:s7+s4], $0x2800, $0x38;
	[tilespmem:$0x5580] =	vst v63  }
0x22: {  	_ =	swait.ge [sflag:s13], $0x2800  }
0x23: {  	[sflag:s13] =	ssyncset.done $0x0  }
0x24: {  	[sflag:s13] =	ssyncadd.s32 $0xFFFFD800  }
0x25: {  	[tilespmem:s15], [sflag:$0x1] =	stream.linear.gather [hbm4b:s8+s4], $0x2800, $0x38;
	[tilespmem:$0x5580] =	vst v63  }
0x26: {  	_ =	swait.ge [sflag:s13], $0x2800  }
0x27: {  	[sflag:s13] =	ssyncset.done $0x0  }
0x28: {  	[sflag:s13] =	ssyncadd.s32 $0xFFFFD800  }
0x29: {  	s21 =	simm.s32 $0x0;
	[bflag:$0x0] =	sbarrier.arrive $0xFFFF  }
0x2a: {  	[spmem:s2] =	stream.indirect.scatter.add.f32 [tilespmem:s17], [sflag:$0x1], $0x1, s21, s16, $0xb8;
	[tilespmem:$0x5580] =	vst v63  }
0x2b: {  	_ =	swait.ge [sflag:s13], $0x80  }
0x2c: {  	[sflag:s13] =	ssyncset.done $0x0  }
0x2d: {  	s31 =	simm.s32 $0x2800;
	[sflag:s13] =	ssyncadd.s32 $0xFFFFFF80  }
0x2e: {  	[spmem:s3] =	stream.indirect.scatter.add.f32 [tilespmem:s17], [sflag:$0x1], $0x1, s31, s16, $0xb8;
	[tilespmem:$0x5580] =	vst v63  }
0x2f: {  	_ =	swait.ge [sflag:s13], $0x80  }
0x30: {  	s22 =	simm.s32 $0x400;
	s21 =	simm.s32 $0x200;
	[sflag:s13] =	ssyncset.done $0x0  }
.LBB2_2:
0x31: {  	s23 =	sshra.s32 s21, $0x2  }
0x32: {  	[sflag:s13] =	ssyncadd.s32 $0xFFFFFF80;
	s21 =	smov.u32 s22;
	s24 =	sadd.s32 $0x200, s22  }
0x33: {  	[spmem:s2] =	stream.indirect.scatter.add.f32 [tilespmem:s17], [sflag:$0x1], $0x1, s23, s16, $0xb8;
	[tilespmem:$0x5580] =	vst v63  }
0x34: {  	p0 =	sne.s32 s22, $0x9E00;
	_ =	swait.ge [sflag:s13], $0x80  }
.Ltmp0:
0x35: {  	[sflag:s13] =	ssyncset.done $0x0;
	(pc) =	sbr.rel @p0 .LBB2_2-.Ltmp0, $4  }
0x36: {  	s22 =	sadd.s32 $0x2800, s23;
	[sflag:s13] =	ssyncadd.s32 $0xFFFFFF80  }
0x37: {  	[spmem:s3] =	stream.indirect.scatter.add.f32 [tilespmem:s17], [sflag:$0x1], $0x1, s22, s16, $0xb8;
	[tilespmem:$0x5580] =	vst v63  }
0x38: {  	_ =	swait.ge [sflag:s13], $0x80  }
0x39: {  	s22 =	smov.u32 s24;
	[sflag:s13] =	ssyncset.done $0x0  }
0x3a: {  	s21 =	sshra.s32 s21, $0x2;
	[sflag:s13] =	ssyncadd.s32 $0xFFFFFF80  }
0x3b: {  	[spmem:s2] =	stream.indirect.scatter.add.f32 [tilespmem:s17], [sflag:$0x1], $0x1, s21, s16, $0xb8;
	[tilespmem:$0x5580] =	vst v63  }
0x3c: {  	_ =	swait.ge [sflag:s13], $0x80  }
0x3d: {  	[sflag:s13] =	ssyncset.done $0x0  }
0x3e: {  	s21 =	sadd.s32 $0x2800, s21;
	[sflag:s13] =	ssyncadd.s32 $0xFFFFFF80  }
0x3f: {  	[spmem:s3] =	stream.indirect.scatter.add.f32 [tilespmem:s17], [sflag:$0x1], $0x1, s21, s16, $0xb8;
	[tilespmem:$0x5580] =	vst v63  }
0x40: {  	_ =	swait.ge [sflag:s13], $0x80  }
0x41: {  	[sflag:s13] =	ssyncset.done $0x0  }
0x42: {  	[sflag:s13] =	ssyncadd.s32 $0xFFFFFF80  }
0x43: {  	[bflag:$0x0] =	sbarrier.arrive $0xFFFF  }
0x44: {  	[hbm:s9@s18], [sflag:s6] =	dma.strided [spmem:s12@s19], $0x50, s13, $0x10   }
0x45: {  	s20 =	sadd.s32 $0x1, s20;
	_ =	swait.ge [sflag:s13], $0x50  }
0x46: {  	p0 =	sne.s32 s20, s11;
	[sflag:s13] =	ssyncset.done $0x0  }
.Ltmp1:
0x47: {  	[sflag:s13] =	ssyncadd.s32 $0xFFFFFFB0;
	(pc) =	sbr.rel @p0 .LBB2_1-.Ltmp1, $4  }
0x48: {  	[hbm:s10@s18], [sflag:s6] =	dma.strided [spmem:s14@s19], $0x50, s13, $0x10   }
0x49: {  	_ =	swait.ge [sflag:s13], $0x50  }
0x4a: {  	[sflag:s13] =	ssyncset.done $0x0  }
0x4b: {  	[sflag:s13] =	ssyncadd.s32 $0xFFFFFFB0  }
0x4c: {  	_ =	sfence.sel $0x180000  }
0x4d: {  	[bflag:$0x0] =	sbarrier.arrive $0xFFFF  }
0x4e: {  	p0 =	sne.s32 s0, $0x0;
	_ =	strace $0x90000047  }
0x4f: {  	s0 =	sadd.s32 @!p0 $0x100000, s1;
	[bflag:$0x2] =	sbarrier.arrive $0xFFFF  }
0x50: {  	[sflag:s0] =	ssyncadd.tile.s32 @!p0 $0x1;
	_ =	shalt  }
.Lfunc_end2:
_tile_overlayer_lowered:
.L_overlay_start_2:
0x51: {  	(tag) =	ssettag $0x2  }
0x52: {  	s0 =	rddreg [dreg:$0x0];
	s2 =	stileid.u32  }
0x53: {  	s1 =	rddreg [dreg:$0x1];
	p0 =	sne.s32 s2, $0x0  }
0x54: {  	s3 =	rddreg [dreg:$0x2];
	[bflag:$0x3] =	sbarrier.arrive $0xFFFF;
	s2 =	simm.s32 @!p0 $0x1C01  }
0x55: {  	[timem:s3], [sflag:s2] =	dma.local @!p0 [hbm:s0], s1  }
0x56: {  	s0 =	simm.s32 @!p0 $0x1  }
0x57: {  	_ =	swait.ge @!p0 [sflag:s0], s1  }
0x58: {  	s1 =	ssub.s32 @!p0 $0x0, s1;
	[sflag:s0] =	ssyncset.done @!p0 $0x0  }
0x59: {  	[sflag:s0] =	ssyncadd.s32 @!p0 s1  }
0x5a: {  	[bflag:$0x3] =	sbarrier.arrive $0xFFFF  }
0x5b: {  	_ =	shalt  }

</sc_bundles>
